<compile_context>
chip_gen: v7x
topology: tpu7x:2x2x1
jax: 0.10.2.dev20260603
libtpu: 0.0.44.dev20260713+nightly
codegen_flags: <defaults>
</compile_context>

<pallas_src>
import functools

import jax
import jax.numpy as jnp
from jax import lax
from jax.experimental import pallas as pl
from jax.experimental.pallas import tpu as pltpu
from jax.experimental.pallas import tpu_sc as plsc

_K = 16
_BR = 256
_L = 16
_T = 8
_NU = 1152
_T2 = 9
_NU2 = 128


def _dist_body(q_ref, k_ref, d_ref, a_ref, a2_ref, ct_ref, *, n, k):
    b = pl.program_id(0)
    q = q_ref[0]
    kt = k_ref[0]
    c_dim = q.shape[1]

    qs = q[:, 0:1] * q[:, 0:1]
    for c in range(1, c_dim):
        qs = qs + q[:, c:c + 1] * q[:, c:c + 1]
    qn = q / jnp.maximum(jnp.sqrt(qs), 1e-12)

    ks = kt[0:1] * kt[0:1]
    for c in range(1, c_dim):
        ks = ks + kt[c:c + 1] * kt[c:c + 1]
    knt = kt / jnp.maximum(jnp.sqrt(ks), 1e-12)

    dots = lax.dot_general(qn, knt, (((1,), (0,)), ((), ())),
                           preferred_element_type=jnp.float32)

    sq_q = qn[:, 0:1] * qn[:, 0:1]
    for c in range(1, c_dim):
        sq_q = sq_q + qn[:, c:c + 1] * qn[:, c:c + 1]
    sq_k = knt[0:1] * knt[0:1]
    for c in range(1, c_dim):
        sq_k = sq_k + knt[c:c + 1] * knt[c:c + 1]

    nd = -((sq_q + (-2.0 * dots)) + sq_k)
    d_ref[0] = nd

    acc = nd[:, 0:_NU]
    for t in range(1, _T):
        acc = jnp.maximum(acc, nd[:, t * _NU:(t + 1) * _NU])
    a_ref[0] = acc

    acc2 = acc[:, 0:_NU2]
    for t in range(1, _T2):
        acc2 = jnp.maximum(acc2, acc[:, t * _NU2:(t + 1) * _NU2])
    a2_ref[0] = acc2

    row0 = b * n + pl.program_id(1) * _BR
    ct_ref[0] = lax.broadcasted_iota(jnp.int32, (_BR, k), 0) + row0


def _topk_sc_body(dist_hbm, accm_hbm, acc2m_hbm, nn_hbm, buf, accb, acc2b,
                  outv, bufB, accbB, acc2bB, outvB, semd, sema, sem2,
                  semdB, semaB, sem2B, *, n, nrows, k):
    nc = 2
    wid = lax.axis_index("s") * nc + lax.axis_index("c")
    rpw = nrows // 32
    base = wid * rpw
    lanes = jnp.arange(_L, dtype=jnp.int32)
    tcap = jnp.minimum(lanes, _T - 1)
    t2cap = jnp.minimum(lanes, _T2 - 1)
    last = base + rpw - 1
    ninf = jnp.float32(-jnp.inf)

    def start(b0, b1, b2, s0, s1, s2, half, row):
        pltpu.make_async_copy(dist_hbm.at[row], b0.at[pl.ds(half * n, n)],
                              s0).start()
        pltpu.make_async_copy(accm_hbm.at[row],
                              b1.at[pl.ds(half * _NU, _NU)], s1).start()
        pltpu.make_async_copy(acc2m_hbm.at[row],
                              b2.at[pl.ds(half * _NU2, _NU2)], s2).start()

    def wait(b0, b1, b2, s0, s1, s2):
        pltpu.make_async_copy(dist_hbm.at[base], b0.at[pl.ds(0, n)],
                              s0).wait()
        pltpu.make_async_copy(accm_hbm.at[base], b1.at[pl.ds(0, _NU)],
                              s1).wait()
        pltpu.make_async_copy(acc2m_hbm.at[base], b2.at[pl.ds(0, _NU2)],
                              s2).wait()

    def process(h, rowA, rowB):
        bb, ab, a2b = h * n, h * _NU, h * _NU2

        def one(buf, accb, acc2b, t, idxs):
            cur = acc2b[pl.ds(a2b, _L)]
            jsel = jnp.zeros((_L,), jnp.int32)
            for a in range(1, _NU2 // _L):
                v = acc2b[pl.ds(a2b + a * _L, _L)]
                gt = v > cur
                cur = jnp.where(gt, v, cur)
                jsel = jnp.where(gt, a, jsel)
            sk, sv = plsc.sort_key_val(cur, jsel * _L + lanes, descending=True)
            m = sk[0]
            w = sv[0]
            lstar = jnp.bitwise_and(w, _L - 1)
            g1 = plsc.load_gather(accb, [ab + t2cap * _NU2 + w])
            _, s1 = plsc.sort_key_val(g1, lanes, descending=True)
            u = s1[0] * _NU2 + w
            g0 = plsc.load_gather(buf, [bb + tcap * _NU + u])
            _, s0 = plsc.sort_key_val(g0, lanes, descending=True)
            col = s0[0] * _NU + u
            vv = buf[pl.ds(bb + col - lstar, _L)]
            buf[pl.ds(bb + col - lstar, _L)] = jnp.where(
                lanes == lstar, ninf, vv)
            r0 = buf[pl.ds(bb + u - lstar, _L)]
            for tt in range(1, _T):
                r0 = jnp.maximum(r0, buf[pl.ds(bb + tt * _NU + u - lstar, _L)])
            accb[pl.ds(ab + u - lstar, _L)] = r0
            r1 = accb[pl.ds(ab + w - lstar, _L)]
            for tt in range(1, _T2):
                r1 = jnp.maximum(
                    r1, accb[pl.ds(ab + tt * _NU2 + w - lstar, _L)])
            acc2b[pl.ds(a2b + w - lstar, _L)] = r1
            return jnp.where(lanes == (t - 1), col, idxs)

        def round_t(t, carry):
            idxsA, idxsB = carry
            idxsA = one(buf, accb, acc2b, t, idxsA)
            idxsB = one(bufB, accbB, acc2bB, t, idxsB)
            return idxsA, idxsB

        idxsA, idxsB = lax.fori_loop(
            0, k + 1, round_t,
            (jnp.zeros((_L,), jnp.int32), jnp.zeros((_L,), jnp.int32)))

        offA = jnp.where(rowA >= n, n, 0)
        offB = jnp.where(rowB >= n, n, 0)
        outv[...] = idxsA + offA
        outvB[...] = idxsB + offB
        pltpu.sync_copy(outv, nn_hbm.at[rowA])
        pltpu.sync_copy(outvB, nn_hbm.at[rowB])

    start(buf, accb, acc2b, semd, sema, sem2, 0, base)
    start(bufB, accbB, acc2bB, semdB, semaB, sem2B, 0, base + 1)

    def outer(i, carry):
        p = jnp.bitwise_and(i, 1)
        rowA = base + 2 * i
        rowB = rowA + 1
        wait(buf, accb, acc2b, semd, sema, sem2)
        wait(bufB, accbB, acc2bB, semdB, semaB, sem2B)
        start(buf, accb, acc2b, semd, sema, sem2, 1 - p,
              jnp.minimum(rowA + 2, last))
        start(bufB, accbB, acc2bB, semdB, semaB, sem2B, 1 - p,
              jnp.minimum(rowB + 2, last))
        process(p, rowA, rowB)
        return carry
    lax.fori_loop(0, rpw // 2, outer, 0)
    wait(buf, accb, acc2b, semd, sema, sem2)
    wait(bufB, accbB, acc2bB, semdB, semaB, sem2B)


def kernel(x):
    B, C, H, W = x.shape
    n = H * W
    rows = B * n
    xc = x.reshape(B, C, n)
    xt = jnp.transpose(xc, (0, 2, 1))

    dist, accm, acc2m, ct = pl.pallas_call(
        functools.partial(_dist_body, n=n, k=_K),
        grid=(B, n // _BR),
        in_specs=[
            pl.BlockSpec((1, _BR, C), lambda b, r: (b, r, 0)),
            pl.BlockSpec((1, C, n), lambda b, r: (b, 0, 0)),
        ],
        out_specs=[
            pl.BlockSpec((1, _BR, n), lambda b, r: (b, r, 0)),
            pl.BlockSpec((1, _BR, _NU), lambda b, r: (b, r, 0)),
            pl.BlockSpec((1, _BR, _NU2), lambda b, r: (b, r, 0)),
            pl.BlockSpec((1, _BR, _K), lambda b, r: (b, r, 0)),
        ],
        out_shape=[
            jax.ShapeDtypeStruct((B, n, n), jnp.float32),
            jax.ShapeDtypeStruct((B, n, _NU), jnp.float32),
            jax.ShapeDtypeStruct((B, n, _NU2), jnp.float32),
            jax.ShapeDtypeStruct((B, n, _K), jnp.int32),
        ],
    )(xt, xc)

    mesh = plsc.VectorSubcoreMesh(core_axis_name="c", subcore_axis_name="s")
    nn = pl.kernel(
        functools.partial(_topk_sc_body, n=n, nrows=rows, k=_K),
        out_type=jax.ShapeDtypeStruct((rows, _K), jnp.int32),
        mesh=mesh,
        compiler_params=pltpu.CompilerParams(needs_layout_passes=False),
        scratch_types=[
            pltpu.VMEM((2 * n,), jnp.float32),
            pltpu.VMEM((2 * _NU,), jnp.float32),
            pltpu.VMEM((2 * _NU2,), jnp.float32),
            pltpu.VMEM((_L,), jnp.int32),
            pltpu.VMEM((2 * n,), jnp.float32),
            pltpu.VMEM((2 * _NU,), jnp.float32),
            pltpu.VMEM((2 * _NU2,), jnp.float32),
            pltpu.VMEM((_L,), jnp.int32),
            pltpu.SemaphoreType.DMA,
            pltpu.SemaphoreType.DMA,
            pltpu.SemaphoreType.DMA,
            pltpu.SemaphoreType.DMA,
            pltpu.SemaphoreType.DMA,
            pltpu.SemaphoreType.DMA,
        ],
    )(dist.reshape(rows, n), accm.reshape(rows, _NU),
      acc2m.reshape(rows, _NU2))
    return jnp.stack((nn.reshape(-1), ct.reshape(-1)), axis=0)

# --- scband reference (transcript-rebuilt; emitter-appended) ---
"""Pipeline reference for scband-sparse-knn-graph-79542794322568 (READ-ONLY COPY).

The authoritative reference and input builder live on the scoring server;
editing this copy changes nothing except your own understanding.
"""

import jax, jax.numpy as jnp
import numpy as np

K = 16


def setup_inputs(seed: int = 0) -> dict:
    key = jax.random.key(seed)
    x = jax.random.normal(key, (2, 16, 96, 96), dtype=jnp.float32)
    return {"x": x}


def _forward(x, k):
    B, C, H, W = x.shape
    x = x.reshape(B, C, -1, 1)
    # F.normalize(x, p=2, dim=1): x / max(||x||_2, eps)
    denom = jnp.maximum(jnp.sqrt(jnp.sum(x * x, axis=1, keepdims=True)), 1e-12)
    x = x / denom
    # knn_sparse: x.transpose(2,1).squeeze(-1) -> (B, N, C)
    xt = jnp.squeeze(jnp.transpose(x, (0, 2, 1, 3)), axis=-1)
    batch_size, n_points, n_dims = xt.shape
    # pairwise_distance (n_points <= 10000 branch)
    x_inner = -2.0 * jnp.matmul(xt, jnp.transpose(xt, (0, 2, 1)))
    x_square = jnp.sum(xt * xt, axis=-1, keepdims=True)
    dist = x_square + x_inner + jnp.transpose(x_square, (0, 2, 1))
    # dissimilarity=False, loop=False: topk(-dist, k+1), drop self (first col)
    vals, nn_idx = jax.lax.top_k(-dist, k + 1)
    nn_idx = nn_idx[:, :, 1:]
    # center_idx: arange(N).repeat(B,k,1).transpose(2,1) -> (B, N, k)
    center_idx = jnp.broadcast_to(jnp.arange(n_points)[None, :, None], (batch_size, n_points, k))
    # batch_counter: per-batch offset i * n_points, shape (B, N, k) broadcast
    batch_counter = (jnp.arange(batch_size) * n_points)[:, None, None]
    center_idx = center_idx + batch_counter
    nn_idx = nn_idx + batch_counter
    center_idx = center_idx.reshape(-1)
    nn_idx = nn_idx.reshape(-1)
    edge_index = jnp.stack((nn_idx, center_idx), axis=0)
    return edge_index.astype(jnp.int32)


def reference(x):
    return _forward(x, K)

if __name__ == "__main__":
    import jax
    _d = setup_inputs()
    print(jax.jit(kernel)(*tuple(_d.values())))

</pallas_src>

<mosaic_0001>
#map = affine_map<(d0, d1) -> (0, 0)>
module attributes {stable_mosaic.version = 14 : i64} {
  func.func @_topk_sc_body(%arg0: i32, %arg1: i32, %arg2: memref<18432x9216xf32, #tpu.memory_space<hbm>>, %arg3: memref<18432x1152xf32, #tpu.memory_space<hbm>>, %arg4: memref<18432x128xf32, #tpu.memory_space<hbm>>, %arg5: memref<18432x16xi32, #tpu.memory_space<hbm>>, %arg6: memref<18432xf32, #tpu.memory_space<vmem>>, %arg7: memref<2304xf32, #tpu.memory_space<vmem>>, %arg8: memref<256xf32, #tpu.memory_space<vmem>>, %arg9: memref<16xi32, #tpu.memory_space<vmem>>, %arg10: memref<18432xf32, #tpu.memory_space<vmem>>, %arg11: memref<2304xf32, #tpu.memory_space<vmem>>, %arg12: memref<256xf32, #tpu.memory_space<vmem>>, %arg13: memref<16xi32, #tpu.memory_space<vmem>>, %arg14: memref<!tpu.dma_semaphore, #tpu.memory_space<semaphore_mem>>, %arg15: memref<!tpu.dma_semaphore, #tpu.memory_space<semaphore_mem>>, %arg16: memref<!tpu.dma_semaphore, #tpu.memory_space<semaphore_mem>>, %arg17: memref<!tpu.dma_semaphore, #tpu.memory_space<semaphore_mem>>, %arg18: memref<!tpu.dma_semaphore, #tpu.memory_space<semaphore_mem>>, %arg19: memref<!tpu.dma_semaphore, #tpu.memory_space<semaphore_mem>>) attributes {dimension_semantics = [#tpu.dimension_semantics<core_parallel>, #tpu.dimension_semantics<subcore_parallel>], iteration_bounds = array<i64: 2, 16>, scalar_prefetch = 0 : i64, scratch_operands = 14 : i64, tpu.core_type = #tpu.core_type<sc_vector_subcore>, window_params = [{transform_indices = #map}, {transform_indices = #map}, {transform_indices = #map}, {transform_indices = #map}]} {
    %mul3A = arith.constant 2 : i32
    %mul3A_0 = arith.muli %arg1, %mul3A : i32
    %add3A = arith.addi %mul3A_0, %arg0 : i32
    %mul3A_1 = arith.constant 576 : i32
    %mul3A_2 = arith.muli %add3A, %mul3A_1 : i32
    %iota3A = tpu.iota {dimensions = array<i32: 0>} : vector<16xi32>
    %min3A = arith.constant 7 : i32
    %min3A_3 = vector.broadcast %min3A : i32 to vector<16xi32>
    %min3A_4 = arith.minsi %iota3A, %min3A_3 : vector<16xi32>
    %min3A_5 = arith.constant 8 : i32
    %min3A_6 = vector.broadcast %min3A_5 : i32 to vector<16xi32>
    %min3A_7 = arith.minsi %iota3A, %min3A_6 : vector<16xi32>
    %add3A_8 = arith.constant 576 : i32
    %add3A_9 = arith.addi %mul3A_2, %add3A_8 : i32
    %sub3A = arith.constant 1 : i32
    %sub3A_10 = arith.subi %add3A_9, %sub3A : i32
    %dma_start3A = arith.constant 0 : i32
    %dma_start3A_11 = tpu.memref_slice %arg6[%dma_start3A] : memref<18432xf32, #tpu.memory_space<vmem>> -> memref<9216xf32, #tpu.memory_space<vmem>>
    %dma_start3A_12 = arith.constant 0 : i32
    %dma_start3A_13 = tpu.memref_slice %arg2[%mul3A_2, %dma_start3A_12] : memref<18432x9216xf32, #tpu.memory_space<hbm>> -> memref<1x9216xf32, #tpu.memory_space<hbm>>
    %dma_start3A_14 = tpu.memref_squeeze %dma_start3A_13 : memref<1x9216xf32, #tpu.memory_space<hbm>> -> memref<9216xf32, #tpu.memory_space<hbm>>
    %dma_start3A_15 = arith.constant 0 : i32
    %dma_start3A_16 = tpu.memref_slice %arg6[%dma_start3A_15] : memref<18432xf32, #tpu.memory_space<vmem>> -> memref<9216xf32, #tpu.memory_space<vmem>>
    %dma_start3A_17 = arith.constant 0 : i32
    %dma_start3A_18 = tpu.memref_slice %arg2[%mul3A_2, %dma_start3A_17] : memref<18432x9216xf32, #tpu.memory_space<hbm>> -> memref<1x9216xf32, #tpu.memory_space<hbm>>
    %dma_start3A_19 = tpu.memref_squeeze %dma_start3A_18 : memref<1x9216xf32, #tpu.memory_space<hbm>> -> memref<9216xf32, #tpu.memory_space<hbm>>
    tpu.enqueue_dma source(%dma_start3A_19 : memref<9216xf32, #tpu.memory_space<hbm>>) target(%dma_start3A_16 : memref<9216xf32, #tpu.memory_space<vmem>>) target_semaphore(%arg14 : memref<!tpu.dma_semaphore, #tpu.memory_space<semaphore_mem>>)
    %dma_start3A_20 = arith.constant 0 : i32
    %dma_start3A_21 = tpu.memref_slice %arg7[%dma_start3A_20] : memref<2304xf32, #tpu.memory_space<vmem>> -> memref<1152xf32, #tpu.memory_space<vmem>>
    %dma_start3A_22 = arith.constant 0 : i32
    %dma_start3A_23 = tpu.memref_slice %arg3[%mul3A_2, %dma_start3A_22] : memref<18432x1152xf32, #tpu.memory_space<hbm>> -> memref<1x1152xf32, #tpu.memory_space<hbm>>
    %dma_start3A_24 = tpu.memref_squeeze %dma_start3A_23 : memref<1x1152xf32, #tpu.memory_space<hbm>> -> memref<1152xf32, #tpu.memory_space<hbm>>
    %dma_start3A_25 = arith.constant 0 : i32
    %dma_start3A_26 = tpu.memref_slice %arg7[%dma_start3A_25] : memref<2304xf32, #tpu.memory_space<vmem>> -> memref<1152xf32, #tpu.memory_space<vmem>>
    %dma_start3A_27 = arith.constant 0 : i32
    %dma_start3A_28 = tpu.memref_slice %arg3[%mul3A_2, %dma_start3A_27] : memref<18432x1152xf32, #tpu.memory_space<hbm>> -> memref<1x1152xf32, #tpu.memory_space<hbm>>
    %dma_start3A_29 = tpu.memref_squeeze %dma_start3A_28 : memref<1x1152xf32, #tpu.memory_space<hbm>> -> memref<1152xf32, #tpu.memory_space<hbm>>
    tpu.enqueue_dma source(%dma_start3A_29 : memref<1152xf32, #tpu.memory_space<hbm>>) target(%dma_start3A_26 : memref<1152xf32, #tpu.memory_space<vmem>>) target_semaphore(%arg15 : memref<!tpu.dma_semaphore, #tpu.memory_space<semaphore_mem>>)
    %dma_start3A_30 = arith.constant 0 : i32
    %dma_start3A_31 = tpu.memref_slice %arg8[%dma_start3A_30] : memref<256xf32, #tpu.memory_space<vmem>> -> memref<128xf32, #tpu.memory_space<vmem>>
    %dma_start3A_32 = arith.constant 0 : i32
    %dma_start3A_33 = tpu.memref_slice %arg4[%mul3A_2, %dma_start3A_32] : memref<18432x128xf32, #tpu.memory_space<hbm>> -> memref<1x128xf32, #tpu.memory_space<hbm>>
    %dma_start3A_34 = tpu.memref_squeeze %dma_start3A_33 : memref<1x128xf32, #tpu.memory_space<hbm>> -> memref<128xf32, #tpu.memory_space<hbm>>
    %dma_start3A_35 = arith.constant 0 : i32
    %dma_start3A_36 = tpu.memref_slice %arg8[%dma_start3A_35] : memref<256xf32, #tpu.memory_space<vmem>> -> memref<128xf32, #tpu.memory_space<vmem>>
    %dma_start3A_37 = arith.constant 0 : i32
    %dma_start3A_38 = tpu.memref_slice %arg4[%mul3A_2, %dma_start3A_37] : memref<18432x128xf32, #tpu.memory_space<hbm>> -> memref<1x128xf32, #tpu.memory_space<hbm>>
    %dma_start3A_39 = tpu.memref_squeeze %dma_start3A_38 : memref<1x128xf32, #tpu.memory_space<hbm>> -> memref<128xf32, #tpu.memory_space<hbm>>
    tpu.enqueue_dma source(%dma_start3A_39 : memref<128xf32, #tpu.memory_space<hbm>>) target(%dma_start3A_36 : memref<128xf32, #tpu.memory_space<vmem>>) target_semaphore(%arg16 : memref<!tpu.dma_semaphore, #tpu.memory_space<semaphore_mem>>)
    %add3A_40 = arith.constant 1 : i32
    %add3A_41 = arith.addi %mul3A_2, %add3A_40 : i32
    %dma_start3A_42 = arith.constant 0 : i32
    %dma_start3A_43 = tpu.memref_slice %arg10[%dma_start3A_42] : memref<18432xf32, #tpu.memory_space<vmem>> -> memref<9216xf32, #tpu.memory_space<vmem>>
    %dma_start3A_44 = arith.constant 0 : i32
    %dma_start3A_45 = tpu.memref_slice %arg2[%add3A_41, %dma_start3A_44] : memref<18432x9216xf32, #tpu.memory_space<hbm>> -> memref<1x9216xf32, #tpu.memory_space<hbm>>
    %dma_start3A_46 = tpu.memref_squeeze %dma_start3A_45 : memref<1x9216xf32, #tpu.memory_space<hbm>> -> memref<9216xf32, #tpu.memory_space<hbm>>
    %dma_start3A_47 = arith.constant 0 : i32
    %dma_start3A_48 = tpu.memref_slice %arg10[%dma_start3A_47] : memref<18432xf32, #tpu.memory_space<vmem>> -> memref<9216xf32, #tpu.memory_space<vmem>>
    %dma_start3A_49 = arith.constant 0 : i32
    %dma_start3A_50 = tpu.memref_slice %arg2[%add3A_41, %dma_start3A_49] : memref<18432x9216xf32, #tpu.memory_space<hbm>> -> memref<1x9216xf32, #tpu.memory_space<hbm>>
    %dma_start3A_51 = tpu.memref_squeeze %dma_start3A_50 : memref<1x9216xf32, #tpu.memory_space<hbm>> -> memref<9216xf32, #tpu.memory_space<hbm>>
    tpu.enqueue_dma source(%dma_start3A_51 : memref<9216xf32, #tpu.memory_space<hbm>>) target(%dma_start3A_48 : memref<9216xf32, #tpu.memory_space<vmem>>) target_semaphore(%arg17 : memref<!tpu.dma_semaphore, #tpu.memory_space<semaphore_mem>>)
    %dma_start3A_52 = arith.constant 0 : i32
    %dma_start3A_53 = tpu.memref_slice %arg11[%dma_start3A_52] : memref<2304xf32, #tpu.memory_space<vmem>> -> memref<1152xf32, #tpu.memory_space<vmem>>
    %dma_start3A_54 = arith.constant 0 : i32
    %dma_start3A_55 = tpu.memref_slice %arg3[%add3A_41, %dma_start3A_54] : memref<18432x1152xf32, #tpu.memory_space<hbm>> -> memref<1x1152xf32, #tpu.memory_space<hbm>>
    %dma_start3A_56 = tpu.memref_squeeze %dma_start3A_55 : memref<1x1152xf32, #tpu.memory_space<hbm>> -> memref<1152xf32, #tpu.memory_space<hbm>>
    %dma_start3A_57 = arith.constant 0 : i32
    %dma_start3A_58 = tpu.memref_slice %arg11[%dma_start3A_57] : memref<2304xf32, #tpu.memory_space<vmem>> -> memref<1152xf32, #tpu.memory_space<vmem>>
    %dma_start3A_59 = arith.constant 0 : i32
    %dma_start3A_60 = tpu.memref_slice %arg3[%add3A_41, %dma_start3A_59] : memref<18432x1152xf32, #tpu.memory_space<hbm>> -> memref<1x1152xf32, #tpu.memory_space<hbm>>
    %dma_start3A_61 = tpu.memref_squeeze %dma_start3A_60 : memref<1x1152xf32, #tpu.memory_space<hbm>> -> memref<1152xf32, #tpu.memory_space<hbm>>
    tpu.enqueue_dma source(%dma_start3A_61 : memref<1152xf32, #tpu.memory_space<hbm>>) target(%dma_start3A_58 : memref<1152xf32, #tpu.memory_space<vmem>>) target_semaphore(%arg18 : memref<!tpu.dma_semaphore, #tpu.memory_space<semaphore_mem>>)
    %dma_start3A_62 = arith.constant 0 : i32
    %dma_start3A_63 = tpu.memref_slice %arg12[%dma_start3A_62] : memref<256xf32, #tpu.memory_space<vmem>> -> memref<128xf32, #tpu.memory_space<vmem>>
    %dma_start3A_64 = arith.constant 0 : i32
    %dma_start3A_65 = tpu.memref_slice %arg4[%add3A_41, %dma_start3A_64] : memref<18432x128xf32, #tpu.memory_space<hbm>> -> memref<1x128xf32, #tpu.memory_space<hbm>>
    %dma_start3A_66 = tpu.memref_squeeze %dma_start3A_65 : memref<1x128xf32, #tpu.memory_space<hbm>> -> memref<128xf32, #tpu.memory_space<hbm>>
    %dma_start3A_67 = arith.constant 0 : i32
    %dma_start3A_68 = tpu.memref_slice %arg12[%dma_start3A_67] : memref<256xf32, #tpu.memory_space<vmem>> -> memref<128xf32, #tpu.memory_space<vmem>>
    %dma_start3A_69 = arith.constant 0 : i32
    %dma_start3A_70 = tpu.memref_slice %arg4[%add3A_41, %dma_start3A_69] : memref<18432x128xf32, #tpu.memory_space<hbm>> -> memref<1x128xf32, #tpu.memory_space<hbm>>
    %dma_start3A_71 = tpu.memref_squeeze %dma_start3A_70 : memref<1x128xf32, #tpu.memory_space<hbm>> -> memref<128xf32, #tpu.memory_space<hbm>>
    tpu.enqueue_dma source(%dma_start3A_71 : memref<128xf32, #tpu.memory_space<hbm>>) target(%dma_start3A_68 : memref<128xf32, #tpu.memory_space<vmem>>) target_semaphore(%arg19 : memref<!tpu.dma_semaphore, #tpu.memory_space<semaphore_mem>>)
    %scan3A = arith.constant 0 : i32
    %scan3A_72 = arith.constant 0xFF800000 : f32
    %scan3A_73 = arith.constant 0 : i32
    %scan3A_74 = arith.constant 288 : i32
    %scan3A_75 = arith.addi %scan3A_73, %scan3A_74 : i32
    %scan3A_76 = arith.constant 1 : i32
    scf.for %scan3A_137 = %scan3A_73 to %scan3A_75 step %scan3A_76  : i32 {
      %and3A = arith.constant 1 : i32
      %and3A_138 = arith.andi %scan3A_137, %and3A : i32
      %mul3A_139 = arith.constant 2 : i32
      %mul3A_140 = arith.muli %mul3A_139, %scan3A_137 : i32
      %add3A_141 = arith.addi %mul3A_2, %mul3A_140 : i32
      %add3A_142 = arith.constant 1 : i32
      %add3A_143 = arith.addi %add3A_141, %add3A_142 : i32
      %dma_wait3A_144 = arith.constant 0 : i32
      %dma_wait3A_145 = tpu.memref_slice %arg6[%dma_wait3A_144] : memref<18432xf32, #tpu.memory_space<vmem>> -> memref<9216xf32, #tpu.memory_space<vmem>>
      %dma_wait3A_146 = arith.constant 0 : i32
      %dma_wait3A_147 = tpu.memref_slice %arg2[%mul3A_2, %dma_wait3A_146] : memref<18432x9216xf32, #tpu.memory_space<hbm>> -> memref<1x9216xf32, #tpu.memory_space<hbm>>
      %dma_wait3A_148 = tpu.memref_squeeze %dma_wait3A_147 : memref<1x9216xf32, #tpu.memory_space<hbm>> -> memref<9216xf32, #tpu.memory_space<hbm>>
      %dma_wait3A_149 = arith.constant 0 : i32
      %dma_wait3A_150 = tpu.memref_slice %arg6[%dma_wait3A_149] : memref<18432xf32, #tpu.memory_space<vmem>> -> memref<9216xf32, #tpu.memory_space<vmem>>
      %dma_wait3A_151 = arith.constant 0 : i32
      %dma_wait3A_152 = tpu.memref_slice %arg2[%mul3A_2, %dma_wait3A_151] : memref<18432x9216xf32, #tpu.memory_space<hbm>> -> memref<1x9216xf32, #tpu.memory_space<hbm>>
      %dma_wait3A_153 = tpu.memref_squeeze %dma_wait3A_152 : memref<1x9216xf32, #tpu.memory_space<hbm>> -> memref<9216xf32, #tpu.memory_space<hbm>>
      tpu.wait_dma2 semaphore(%arg14 : memref<!tpu.dma_semaphore, #tpu.memory_space<semaphore_mem>>) src(%dma_wait3A_153 : memref<9216xf32, #tpu.memory_space<hbm>>) dst(%dma_wait3A_150 : memref<9216xf32, #tpu.memory_space<vmem>>)
      %dma_wait3A_154 = arith.constant 0 : i32
      %dma_wait3A_155 = tpu.memref_slice %arg7[%dma_wait3A_154] : memref<2304xf32, #tpu.memory_space<vmem>> -> memref<1152xf32, #tpu.memory_space<vmem>>
      %dma_wait3A_156 = arith.constant 0 : i32
      %dma_wait3A_157 = tpu.memref_slice %arg3[%mul3A_2, %dma_wait3A_156] : memref<18432x1152xf32, #tpu.memory_space<hbm>> -> memref<1x1152xf32, #tpu.memory_space<hbm>>
      %dma_wait3A_158 = tpu.memref_squeeze %dma_wait3A_157 : memref<1x1152xf32, #tpu.memory_space<hbm>> -> memref<1152xf32, #tpu.memory_space<hbm>>
      %dma_wait3A_159 = arith.constant 0 : i32
      %dma_wait3A_160 = tpu.memref_slice %arg7[%dma_wait3A_159] : memref<2304xf32, #tpu.memory_space<vmem>> -> memref<1152xf32, #tpu.memory_space<vmem>>
      %dma_wait3A_161 = arith.constant 0 : i32
      %dma_wait3A_162 = tpu.memref_slice %arg3[%mul3A_2, %dma_wait3A_161] : memref<18432x1152xf32, #tpu.memory_space<hbm>> -> memref<1x1152xf32, #tpu.memory_space<hbm>>
      %dma_wait3A_163 = tpu.memref_squeeze %dma_wait3A_162 : memref<1x1152xf32, #tpu.memory_space<hbm>> -> memref<1152xf32, #tpu.memory_space<hbm>>
      tpu.wait_dma2 semaphore(%arg15 : memref<!tpu.dma_semaphore, #tpu.memory_space<semaphore_mem>>) src(%dma_wait3A_163 : memref<1152xf32, #tpu.memory_space<hbm>>) dst(%dma_wait3A_160 : memref<1152xf32, #tpu.memory_space<vmem>>)
      %dma_wait3A_164 = arith.constant 0 : i32
      %dma_wait3A_165 = tpu.memref_slice %arg8[%dma_wait3A_164] : memref<256xf32, #tpu.memory_space<vmem>> -> memref<128xf32, #tpu.memory_space<vmem>>
      %dma_wait3A_166 = arith.constant 0 : i32
      %dma_wait3A_167 = tpu.memref_slice %arg4[%mul3A_2, %dma_wait3A_166] : memref<18432x128xf32, #tpu.memory_space<hbm>> -> memref<1x128xf32, #tpu.memory_space<hbm>>
      %dma_wait3A_168 = tpu.memref_squeeze %dma_wait3A_167 : memref<1x128xf32, #tpu.memory_space<hbm>> -> memref<128xf32, #tpu.memory_space<hbm>>
      %dma_wait3A_169 = arith.constant 0 : i32
      %dma_wait3A_170 = tpu.memref_slice %arg8[%dma_wait3A_169] : memref<256xf32, #tpu.memory_space<vmem>> -> memref<128xf32, #tpu.memory_space<vmem>>
      %dma_wait3A_171 = arith.constant 0 : i32
      %dma_wait3A_172 = tpu.memref_slice %arg4[%mul3A_2, %dma_wait3A_171] : memref<18432x128xf32, #tpu.memory_space<hbm>> -> memref<1x128xf32, #tpu.memory_space<hbm>>
      %dma_wait3A_173 = tpu.memref_squeeze %dma_wait3A_172 : memref<1x128xf32, #tpu.memory_space<hbm>> -> memref<128xf32, #tpu.memory_space<hbm>>
      tpu.wait_dma2 semaphore(%arg16 : memref<!tpu.dma_semaphore, #tpu.memory_space<semaphore_mem>>) src(%dma_wait3A_173 : memref<128xf32, #tpu.memory_space<hbm>>) dst(%dma_wait3A_170 : memref<128xf32, #tpu.memory_space<vmem>>)
      %dma_wait3A_174 = arith.constant 0 : i32
      %dma_wait3A_175 = tpu.memref_slice %arg10[%dma_wait3A_174] : memref<18432xf32, #tpu.memory_space<vmem>> -> memref<9216xf32, #tpu.memory_space<vmem>>
      %dma_wait3A_176 = arith.constant 0 : i32
      %dma_wait3A_177 = tpu.memref_slice %arg2[%mul3A_2, %dma_wait3A_176] : memref<18432x9216xf32, #tpu.memory_space<hbm>> -> memref<1x9216xf32, #tpu.memory_space<hbm>>
      %dma_wait3A_178 = tpu.memref_squeeze %dma_wait3A_177 : memref<1x9216xf32, #tpu.memory_space<hbm>> -> memref<9216xf32, #tpu.memory_space<hbm>>
      %dma_wait3A_179 = arith.constant 0 : i32
      %dma_wait3A_180 = tpu.memref_slice %arg10[%dma_wait3A_179] : memref<18432xf32, #tpu.memory_space<vmem>> -> memref<9216xf32, #tpu.memory_space<vmem>>
      %dma_wait3A_181 = arith.constant 0 : i32
      %dma_wait3A_182 = tpu.memref_slice %arg2[%mul3A_2, %dma_wait3A_181] : memref<18432x9216xf32, #tpu.memory_space<hbm>> -> memref<1x9216xf32, #tpu.memory_space<hbm>>
      %dma_wait3A_183 = tpu.memref_squeeze %dma_wait3A_182 : memref<1x9216xf32, #tpu.memory_space<hbm>> -> memref<9216xf32, #tpu.memory_space<hbm>>
      tpu.wait_dma2 semaphore(%arg17 : memref<!tpu.dma_semaphore, #tpu.memory_space<semaphore_mem>>) src(%dma_wait3A_183 : memref<9216xf32, #tpu.memory_space<hbm>>) dst(%dma_wait3A_180 : memref<9216xf32, #tpu.memory_space<vmem>>)
      %dma_wait3A_184 = arith.constant 0 : i32
      %dma_wait3A_185 = tpu.memref_slice %arg11[%dma_wait3A_184] : memref<2304xf32, #tpu.memory_space<vmem>> -> memref<1152xf32, #tpu.memory_space<vmem>>
      %dma_wait3A_186 = arith.constant 0 : i32
      %dma_wait3A_187 = tpu.memref_slice %arg3[%mul3A_2, %dma_wait3A_186] : memref<18432x1152xf32, #tpu.memory_space<hbm>> -> memref<1x1152xf32, #tpu.memory_space<hbm>>
      %dma_wait3A_188 = tpu.memref_squeeze %dma_wait3A_187 : memref<1x1152xf32, #tpu.memory_space<hbm>> -> memref<1152xf32, #tpu.memory_space<hbm>>
      %dma_wait3A_189 = arith.constant 0 : i32
      %dma_wait3A_190 = tpu.memref_slice %arg11[%dma_wait3A_189] : memref<2304xf32, #tpu.memory_space<vmem>> -> memref<1152xf32, #tpu.memory_space<vmem>>
      %dma_wait3A_191 = arith.constant 0 : i32
      %dma_wait3A_192 = tpu.memref_slice %arg3[%mul3A_2, %dma_wait3A_191] : memref<18432x1152xf32, #tpu.memory_space<hbm>> -> memref<1x1152xf32, #tpu.memory_space<hbm>>
      %dma_wait3A_193 = tpu.memref_squeeze %dma_wait3A_192 : memref<1x1152xf32, #tpu.memory_space<hbm>> -> memref<1152xf32, #tpu.memory_space<hbm>>
      tpu.wait_dma2 semaphore(%arg18 : memref<!tpu.dma_semaphore, #tpu.memory_space<semaphore_mem>>) src(%dma_wait3A_193 : memref<1152xf32, #tpu.memory_space<hbm>>) dst(%dma_wait3A_190 : memref<1152xf32, #tpu.memory_space<vmem>>)
      %dma_wait3A_194 = arith.constant 0 : i32
      %dma_wait3A_195 = tpu.memref_slice %arg12[%dma_wait3A_194] : memref<256xf32, #tpu.memory_space<vmem>> -> memref<128xf32, #tpu.memory_space<vmem>>
      %dma_wait3A_196 = arith.constant 0 : i32
      %dma_wait3A_197 = tpu.memref_slice %arg4[%mul3A_2, %dma_wait3A_196] : memref<18432x128xf32, #tpu.memory_space<hbm>> -> memref<1x128xf32, #tpu.memory_space<hbm>>
      %dma_wait3A_198 = tpu.memref_squeeze %dma_wait3A_197 : memref<1x128xf32, #tpu.memory_space<hbm>> -> memref<128xf32, #tpu.memory_space<hbm>>
      %dma_wait3A_199 = arith.constant 0 : i32
      %dma_wait3A_200 = tpu.memref_slice %arg12[%dma_wait3A_199] : memref<256xf32, #tpu.memory_space<vmem>> -> memref<128xf32, #tpu.memory_space<vmem>>
      %dma_wait3A_201 = arith.constant 0 : i32
      %dma_wait3A_202 = tpu.memref_slice %arg4[%mul3A_2, %dma_wait3A_201] : memref<18432x128xf32, #tpu.memory_space<hbm>> -> memref<1x128xf32, #tpu.memory_space<hbm>>
      %dma_wait3A_203 = tpu.memref_squeeze %dma_wait3A_202 : memref<1x128xf32, #tpu.memory_space<hbm>> -> memref<128xf32, #tpu.memory_space<hbm>>
      tpu.wait_dma2 semaphore(%arg19 : memref<!tpu.dma_semaphore, #tpu.memory_space<semaphore_mem>>) src(%dma_wait3A_203 : memref<128xf32, #tpu.memory_space<hbm>>) dst(%dma_wait3A_200 : memref<128xf32, #tpu.memory_space<vmem>>)
      %sub3A_204 = arith.constant 1 : i32
      %sub3A_205 = arith.subi %sub3A_204, %and3A_138 : i32
      %add3A_206 = arith.constant 2 : i32
      %add3A_207 = arith.addi %add3A_141, %add3A_206 : i32
      %min3A_208 = arith.minsi %add3A_207, %sub3A_10 : i32
      %mul3A_209 = arith.constant 9216 : i32
      %mul3A_210 = arith.muli %sub3A_205, %mul3A_209 : i32
      %dma_start3A_211 = tpu.memref_slice %arg6[%mul3A_210] : memref<18432xf32, #tpu.memory_space<vmem>> -> memref<9216xf32, #tpu.memory_space<vmem>>
      %dma_start3A_212 = arith.constant 0 : i32
      %dma_start3A_213 = tpu.memref_slice %arg2[%min3A_208, %dma_start3A_212] : memref<18432x9216xf32, #tpu.memory_space<hbm>> -> memref<1x9216xf32, #tpu.memory_space<hbm>>
      %dma_start3A_214 = tpu.memref_squeeze %dma_start3A_213 : memref<1x9216xf32, #tpu.memory_space<hbm>> -> memref<9216xf32, #tpu.memory_space<hbm>>
      %dma_start3A_215 = tpu.memref_slice %arg6[%mul3A_210] : memref<18432xf32, #tpu.memory_space<vmem>> -> memref<9216xf32, #tpu.memory_space<vmem>>
      %dma_start3A_216 = arith.constant 0 : i32
      %dma_start3A_217 = tpu.memref_slice %arg2[%min3A_208, %dma_start3A_216] : memref<18432x9216xf32, #tpu.memory_space<hbm>> -> memref<1x9216xf32, #tpu.memory_space<hbm>>
      %dma_start3A_218 = tpu.memref_squeeze %dma_start3A_217 : memref<1x9216xf32, #tpu.memory_space<hbm>> -> memref<9216xf32, #tpu.memory_space<hbm>>
      tpu.enqueue_dma source(%dma_start3A_218 : memref<9216xf32, #tpu.memory_space<hbm>>) target(%dma_start3A_215 : memref<9216xf32, #tpu.memory_space<vmem>>) target_semaphore(%arg14 : memref<!tpu.dma_semaphore, #tpu.memory_space<semaphore_mem>>)
      %mul3A_219 = arith.constant 1152 : i32
      %mul3A_220 = arith.muli %sub3A_205, %mul3A_219 : i32
      %dma_start3A_221 = tpu.memref_slice %arg7[%mul3A_220] : memref<2304xf32, #tpu.memory_space<vmem>> -> memref<1152xf32, #tpu.memory_space<vmem>>
      %dma_start3A_222 = arith.constant 0 : i32
      %dma_start3A_223 = tpu.memref_slice %arg3[%min3A_208, %dma_start3A_222] : memref<18432x1152xf32, #tpu.memory_space<hbm>> -> memref<1x1152xf32, #tpu.memory_space<hbm>>
      %dma_start3A_224 = tpu.memref_squeeze %dma_start3A_223 : memref<1x1152xf32, #tpu.memory_space<hbm>> -> memref<1152xf32, #tpu.memory_space<hbm>>
      %dma_start3A_225 = tpu.memref_slice %arg7[%mul3A_220] : memref<2304xf32, #tpu.memory_space<vmem>> -> memref<1152xf32, #tpu.memory_space<vmem>>
      %dma_start3A_226 = arith.constant 0 : i32
      %dma_start3A_227 = tpu.memref_slice %arg3[%min3A_208, %dma_start3A_226] : memref<18432x1152xf32, #tpu.memory_space<hbm>> -> memref<1x1152xf32, #tpu.memory_space<hbm>>
      %dma_start3A_228 = tpu.memref_squeeze %dma_start3A_227 : memref<1x1152xf32, #tpu.memory_space<hbm>> -> memref<1152xf32, #tpu.memory_space<hbm>>
      tpu.enqueue_dma source(%dma_start3A_228 : memref<1152xf32, #tpu.memory_space<hbm>>) target(%dma_start3A_225 : memref<1152xf32, #tpu.memory_space<vmem>>) target_semaphore(%arg15 : memref<!tpu.dma_semaphore, #tpu.memory_space<semaphore_mem>>)
      %mul3A_229 = arith.constant 128 : i32
      %mul3A_230 = arith.muli %sub3A_205, %mul3A_229 : i32
      %dma_start3A_231 = tpu.memref_slice %arg8[%mul3A_230] : memref<256xf32, #tpu.memory_space<vmem>> -> memref<128xf32, #tpu.memory_space<vmem>>
      %dma_start3A_232 = arith.constant 0 : i32
      %dma_start3A_233 = tpu.memref_slice %arg4[%min3A_208, %dma_start3A_232] : memref<18432x128xf32, #tpu.memory_space<hbm>> -> memref<1x128xf32, #tpu.memory_space<hbm>>
      %dma_start3A_234 = tpu.memref_squeeze %dma_start3A_233 : memref<1x128xf32, #tpu.memory_space<hbm>> -> memref<128xf32, #tpu.memory_space<hbm>>
      %dma_start3A_235 = tpu.memref_slice %arg8[%mul3A_230] : memref<256xf32, #tpu.memory_space<vmem>> -> memref<128xf32, #tpu.memory_space<vmem>>
      %dma_start3A_236 = arith.constant 0 : i32
      %dma_start3A_237 = tpu.memref_slice %arg4[%min3A_208, %dma_start3A_236] : memref<18432x128xf32, #tpu.memory_space<hbm>> -> memref<1x128xf32, #tpu.memory_space<hbm>>
      %dma_start3A_238 = tpu.memref_squeeze %dma_start3A_237 : memref<1x128xf32, #tpu.memory_space<hbm>> -> memref<128xf32, #tpu.memory_space<hbm>>
      tpu.enqueue_dma source(%dma_start3A_238 : memref<128xf32, #tpu.memory_space<hbm>>) target(%dma_start3A_235 : memref<128xf32, #tpu.memory_space<vmem>>) target_semaphore(%arg16 : memref<!tpu.dma_semaphore, #tpu.memory_space<semaphore_mem>>)
      %sub3A_239 = arith.constant 1 : i32
      %sub3A_240 = arith.subi %sub3A_239, %and3A_138 : i32
      %add3A_241 = arith.constant 2 : i32
      %add3A_242 = arith.addi %add3A_143, %add3A_241 : i32
      %min3A_243 = arith.minsi %add3A_242, %sub3A_10 : i32
      %mul3A_244 = arith.constant 9216 : i32
      %mul3A_245 = arith.muli %sub3A_240, %mul3A_244 : i32
      %dma_start3A_246 = tpu.memref_slice %arg10[%mul3A_245] : memref<18432xf32, #tpu.memory_space<vmem>> -> memref<9216xf32, #tpu.memory_space<vmem>>
      %dma_start3A_247 = arith.constant 0 : i32
      %dma_start3A_248 = tpu.memref_slice %arg2[%min3A_243, %dma_start3A_247] : memref<18432x9216xf32, #tpu.memory_space<hbm>> -> memref<1x9216xf32, #tpu.memory_space<hbm>>
      %dma_start3A_249 = tpu.memref_squeeze %dma_start3A_248 : memref<1x9216xf32, #tpu.memory_space<hbm>> -> memref<9216xf32, #tpu.memory_space<hbm>>
      %dma_start3A_250 = tpu.memref_slice %arg10[%mul3A_245] : memref<18432xf32, #tpu.memory_space<vmem>> -> memref<9216xf32, #tpu.memory_space<vmem>>
      %dma_start3A_251 = arith.constant 0 : i32
      %dma_start3A_252 = tpu.memref_slice %arg2[%min3A_243, %dma_start3A_251] : memref<18432x9216xf32, #tpu.memory_space<hbm>> -> memref<1x9216xf32, #tpu.memory_space<hbm>>
      %dma_start3A_253 = tpu.memref_squeeze %dma_start3A_252 : memref<1x9216xf32, #tpu.memory_space<hbm>> -> memref<9216xf32, #tpu.memory_space<hbm>>
      tpu.enqueue_dma source(%dma_start3A_253 : memref<9216xf32, #tpu.memory_space<hbm>>) target(%dma_start3A_250 : memref<9216xf32, #tpu.memory_space<vmem>>) target_semaphore(%arg17 : memref<!tpu.dma_semaphore, #tpu.memory_space<semaphore_mem>>)
      %mul3A_254 = arith.constant 1152 : i32
      %mul3A_255 = arith.muli %sub3A_240, %mul3A_254 : i32
      %dma_start3A_256 = tpu.memref_slice %arg11[%mul3A_255] : memref<2304xf32, #tpu.memory_space<vmem>> -> memref<1152xf32, #tpu.memory_space<vmem>>
      %dma_start3A_257 = arith.constant 0 : i32
      %dma_start3A_258 = tpu.memref_slice %arg3[%min3A_243, %dma_start3A_257] : memref<18432x1152xf32, #tpu.memory_space<hbm>> -> memref<1x1152xf32, #tpu.memory_space<hbm>>
      %dma_start3A_259 = tpu.memref_squeeze %dma_start3A_258 : memref<1x1152xf32, #tpu.memory_space<hbm>> -> memref<1152xf32, #tpu.memory_space<hbm>>
      %dma_start3A_260 = tpu.memref_slice %arg11[%mul3A_255] : memref<2304xf32, #tpu.memory_space<vmem>> -> memref<1152xf32, #tpu.memory_space<vmem>>
      %dma_start3A_261 = arith.constant 0 : i32
      %dma_start3A_262 = tpu.memref_slice %arg3[%min3A_243, %dma_start3A_261] : memref<18432x1152xf32, #tpu.memory_space<hbm>> -> memref<1x1152xf32, #tpu.memory_space<hbm>>
      %dma_start3A_263 = tpu.memref_squeeze %dma_start3A_262 : memref<1x1152xf32, #tpu.memory_space<hbm>> -> memref<1152xf32, #tpu.memory_space<hbm>>
      tpu.enqueue_dma source(%dma_start3A_263 : memref<1152xf32, #tpu.memory_space<hbm>>) target(%dma_start3A_260 : memref<1152xf32, #tpu.memory_space<vmem>>) target_semaphore(%arg18 : memref<!tpu.dma_semaphore, #tpu.memory_space<semaphore_mem>>)
      %mul3A_264 = arith.constant 128 : i32
      %mul3A_265 = arith.muli %sub3A_240, %mul3A_264 : i32
      %dma_start3A_266 = tpu.memref_slice %arg12[%mul3A_265] : memref<256xf32, #tpu.memory_space<vmem>> -> memref<128xf32, #tpu.memory_space<vmem>>
      %dma_start3A_267 = arith.constant 0 : i32
      %dma_start3A_268 = tpu.memref_slice %arg4[%min3A_243, %dma_start3A_267] : memref<18432x128xf32, #tpu.memory_space<hbm>> -> memref<1x128xf32, #tpu.memory_space<hbm>>
      %dma_start3A_269 = tpu.memref_squeeze %dma_start3A_268 : memref<1x128xf32, #tpu.memory_space<hbm>> -> memref<128xf32, #tpu.memory_space<hbm>>
      %dma_start3A_270 = tpu.memref_slice %arg12[%mul3A_265] : memref<256xf32, #tpu.memory_space<vmem>> -> memref<128xf32, #tpu.memory_space<vmem>>
      %dma_start3A_271 = arith.constant 0 : i32
      %dma_start3A_272 = tpu.memref_slice %arg4[%min3A_243, %dma_start3A_271] : memref<18432x128xf32, #tpu.memory_space<hbm>> -> memref<1x128xf32, #tpu.memory_space<hbm>>
      %dma_start3A_273 = tpu.memref_squeeze %dma_start3A_272 : memref<1x128xf32, #tpu.memory_space<hbm>> -> memref<128xf32, #tpu.memory_space<hbm>>
      tpu.enqueue_dma source(%dma_start3A_273 : memref<128xf32, #tpu.memory_space<hbm>>) target(%dma_start3A_270 : memref<128xf32, #tpu.memory_space<vmem>>) target_semaphore(%arg19 : memref<!tpu.dma_semaphore, #tpu.memory_space<semaphore_mem>>)
      %mul3A_274 = arith.constant 9216 : i32
      %mul3A_275 = arith.muli %and3A_138, %mul3A_274 : i32
      %mul3A_276 = arith.constant 1152 : i32
      %mul3A_277 = arith.muli %and3A_138, %mul3A_276 : i32
      %mul3A_278 = arith.constant 128 : i32
      %mul3A_279 = arith.muli %and3A_138, %mul3A_278 : i32
      %broadcast_in_dim3A = arith.constant 0 : i32
      %broadcast_in_dim3A_280 = vector.broadcast %broadcast_in_dim3A : i32 to vector<16xi32>
      %broadcast_in_dim3A_281 = arith.constant 0 : i32
      %broadcast_in_dim3A_282 = vector.broadcast %broadcast_in_dim3A_281 : i32 to vector<16xi32>
      %scan3A_283 = arith.constant 0 : i32
      %scan3A_284 = arith.constant 17 : i32
      %scan3A_285 = arith.addi %scan3A_283, %scan3A_284 : i32
      %scan3A_286 = arith.constant 1 : i32
      %scan3A_287:2 = scf.for %scan3A_303 = %scan3A_283 to %scan3A_285 step %scan3A_286 iter_args(%scan3A_304 = %broadcast_in_dim3A_280, %scan3A_305 = %broadcast_in_dim3A_282) -> (vector<16xi32>, vector<16xi32>)  : i32 {
        %get3A = arith.index_cast %mul3A_279 : i32 to index
        %get3A_306 = tpu.vector_load %arg8[%get3A] {strides = array<i32>} : memref<256xf32, #tpu.memory_space<vmem>>, vector<16xf32>,
        %broadcast_in_dim3A_307 = arith.constant 0 : i32
        %broadcast_in_dim3A_308 = vector.broadcast %broadcast_in_dim3A_307 : i32 to vector<16xi32>
        %add3A_309 = arith.constant 16 : i32
        %add3A_310 = arith.addi %mul3A_279, %add3A_309 : i32
        %get3A_311 = arith.index_cast %add3A_310 : i32 to index
        %get3A_312 = tpu.vector_load %arg8[%get3A_311] {strides = array<i32>} : memref<256xf32, #tpu.memory_space<vmem>>, vector<16xf32>,
        %gt3A = arith.cmpf ogt, %get3A_312, %get3A_306 : vector<16xf32>
        %select_n3A_313 = arith.select %gt3A, %get3A_312, %get3A_306 : vector<16xi1>, vector<16xf32>
        %jit3A_314 = arith.constant 1 : i32
        %broadcast_in_dim3A_315 = vector.broadcast %jit3A_314 : i32 to vector<16xi32>
        %select_n3A_316 = arith.select %gt3A, %broadcast_in_dim3A_315, %broadcast_in_dim3A_308 : vector<16xi1>, vector<16xi32>
        %add3A_317 = arith.constant 32 : i32
        %add3A_318 = arith.addi %mul3A_279, %add3A_317 : i32
        %get3A_319 = arith.index_cast %add3A_318 : i32 to index
        %get3A_320 = tpu.vector_load %arg8[%get3A_319] {strides = array<i32>} : memref<256xf32, #tpu.memory_space<vmem>>, vector<16xf32>,
        %gt3A_321 = arith.cmpf ogt, %get3A_320, %select_n3A_313 : vector<16xf32>
        %select_n3A_322 = arith.select %gt3A_321, %get3A_320, %select_n3A_313 : vector<16xi1>, vector<16xf32>
        %jit3A_323 = arith.constant 2 : i32
        %broadcast_in_dim3A_324 = vector.broadcast %jit3A_323 : i32 to vector<16xi32>
        %select_n3A_325 = arith.select %gt3A_321, %broadcast_in_dim3A_324, %select_n3A_316 : vector<16xi1>, vector<16xi32>
        %add3A_326 = arith.constant 48 : i32
        %add3A_327 = arith.addi %mul3A_279, %add3A_326 : i32
        %get3A_328 = arith.index_cast %add3A_327 : i32 to index
        %get3A_329 = tpu.vector_load %arg8[%get3A_328] {strides = array<i32>} : memref<256xf32, #tpu.memory_space<vmem>>, vector<16xf32>,
        %gt3A_330 = arith.cmpf ogt, %get3A_329, %select_n3A_322 : vector<16xf32>
        %select_n3A_331 = arith.select %gt3A_330, %get3A_329, %select_n3A_322 : vector<16xi1>, vector<16xf32>
        %jit3A_332 = arith.constant 3 : i32
        %broadcast_in_dim3A_333 = vector.broadcast %jit3A_332 : i32 to vector<16xi32>
        %select_n3A_334 = arith.select %gt3A_330, %broadcast_in_dim3A_333, %select_n3A_325 : vector<16xi1>, vector<16xi32>
        %add3A_335 = arith.constant 64 : i32
        %add3A_336 = arith.addi %mul3A_279, %add3A_335 : i32
        %get3A_337 = arith.index_cast %add3A_336 : i32 to index
        %get3A_338 = tpu.vector_load %arg8[%get3A_337] {strides = array<i32>} : memref<256xf32, #tpu.memory_space<vmem>>, vector<16xf32>,
        %gt3A_339 = arith.cmpf ogt, %get3A_338, %select_n3A_331 : vector<16xf32>
        %select_n3A_340 = arith.select %gt3A_339, %get3A_338, %select_n3A_331 : vector<16xi1>, vector<16xf32>
        %jit3A_341 = arith.constant 4 : i32
        %broadcast_in_dim3A_342 = vector.broadcast %jit3A_341 : i32 to vector<16xi32>
        %select_n3A_343 = arith.select %gt3A_339, %broadcast_in_dim3A_342, %select_n3A_334 : vector<16xi1>, vector<16xi32>
        %add3A_344 = arith.constant 80 : i32
        %add3A_345 = arith.addi %mul3A_279, %add3A_344 : i32
        %get3A_346 = arith.index_cast %add3A_345 : i32 to index
        %get3A_347 = tpu.vector_load %arg8[%get3A_346] {strides = array<i32>} : memref<256xf32, #tpu.memory_space<vmem>>, vector<16xf32>,
        %gt3A_348 = arith.cmpf ogt, %get3A_347, %select_n3A_340 : vector<16xf32>
        %select_n3A_349 = arith.select %gt3A_348, %get3A_347, %select_n3A_340 : vector<16xi1>, vector<16xf32>
        %jit3A_350 = arith.constant 5 : i32
        %broadcast_in_dim3A_351 = vector.broadcast %jit3A_350 : i32 to vector<16xi32>
        %select_n3A_352 = arith.select %gt3A_348, %broadcast_in_dim3A_351, %select_n3A_343 : vector<16xi1>, vector<16xi32>
        %add3A_353 = arith.constant 96 : i32
        %add3A_354 = arith.addi %mul3A_279, %add3A_353 : i32
        %get3A_355 = arith.index_cast %add3A_354 : i32 to index
        %get3A_356 = tpu.vector_load %arg8[%get3A_355] {strides = array<i32>} : memref<256xf32, #tpu.memory_space<vmem>>, vector<16xf32>,
        %gt3A_357 = arith.cmpf ogt, %get3A_356, %select_n3A_349 : vector<16xf32>
        %select_n3A_358 = arith.select %gt3A_357, %get3A_356, %select_n3A_349 : vector<16xi1>, vector<16xf32>
        %jit3A_359 = arith.constant 6 : i32
        %broadcast_in_dim3A_360 = vector.broadcast %jit3A_359 : i32 to vector<16xi32>
        %select_n3A_361 = arith.select %gt3A_357, %broadcast_in_dim3A_360, %select_n3A_352 : vector<16xi1>, vector<16xi32>
        %add3A_362 = arith.constant 112 : i32
        %add3A_363 = arith.addi %mul3A_279, %add3A_362 : i32
        %get3A_364 = arith.index_cast %add3A_363 : i32 to index
        %get3A_365 = tpu.vector_load %arg8[%get3A_364] {strides = array<i32>} : memref<256xf32, #tpu.memory_space<vmem>>, vector<16xf32>,
        %gt3A_366 = arith.cmpf ogt, %get3A_365, %select_n3A_358 : vector<16xf32>
        %select_n3A_367 = arith.select %gt3A_366, %get3A_365, %select_n3A_358 : vector<16xi1>, vector<16xf32>
        %jit3A_368 = arith.constant 7 : i32
        %broadcast_in_dim3A_369 = vector.broadcast %jit3A_368 : i32 to vector<16xi32>
        %select_n3A_370 = arith.select %gt3A_366, %broadcast_in_dim3A_369, %select_n3A_361 : vector<16xi1>, vector<16xi32>
        %mul3A_371 = arith.constant 16 : i32
        %mul3A_372 = vector.broadcast %mul3A_371 : i32 to vector<16xi32>
        %mul3A_373 = arith.muli %select_n3A_370, %mul3A_372 : vector<16xi32>
        %add3A_374 = arith.addi %mul3A_373, %iota3A : vector<16xi32>
        %masked_sort3A = arith.constant dense<true> : vector<16xi1>
        %masked_sort3A_375, %masked_sort3A_376, %masked_sort3A_377 = tpu.sort %select_n3A_367, %add3A_374 masked %masked_sort3A {descending = true} : (vector<16xf32>, vector<16xi32>, vector<16xi1>) -> (vector<16xi1>, vector<16xf32>, vector<16xi32>)
        %slice3A = vector.extract_strided_slice %masked_sort3A_376 {offsets = [0], sizes = [1], strides = [1]} : vector<16xf32> to vector<1xf32>
        %squeeze3A = vector.extract %slice3A[0] : f32 from vector<1xf32>
        %slice3A_378 = vector.extract_strided_slice %masked_sort3A_377 {offsets = [0], sizes = [1], strides = [1]} : vector<16xi32> to vector<1xi32>
        %squeeze3A_379 = vector.extract %slice3A_378[0] : i32 from vector<1xi32>
        %and3A_380 = arith.constant 15 : i32
        %and3A_381 = arith.andi %squeeze3A_379, %and3A_380 : i32
        %mul3A_382 = arith.constant 128 : i32
        %mul3A_383 = vector.broadcast %mul3A_382 : i32 to vector<16xi32>
        %mul3A_384 = arith.muli %min3A_7, %mul3A_383 : vector<16xi32>
        %add3A_385 = vector.broadcast %mul3A_277 : i32 to vector<16xi32>
        %add3A_386 = arith.addi %add3A_385, %mul3A_384 : vector<16xi32>
        %add3A_387 = vector.broadcast %squeeze3A_379 : i32 to vector<16xi32>
        %add3A_388 = arith.addi %add3A_386, %add3A_387 : vector<16xi32>
        %gather3A = tpu.vector_load_idx %arg7[%add3A_388] : memref<2304xf32, #tpu.memory_space<vmem>>[vector<16xi32>], vector<16xf32>,
        %masked_sort3A_389 = arith.constant dense<true> : vector<16xi1>
        %masked_sort3A_390, %masked_sort3A_391, %masked_sort3A_392 = tpu.sort %gather3A, %iota3A masked %masked_sort3A_389 {descending = true} : (vector<16xf32>, vector<16xi32>, vector<16xi1>) -> (vector<16xi1>, vector<16xf32>, vector<16xi32>)
        %slice3A_393 = vector.extract_strided_slice %masked_sort3A_392 {offsets = [0], sizes = [1], strides = [1]} : vector<16xi32> to vector<1xi32>
        %squeeze3A_394 = vector.extract %slice3A_393[0] : i32 from vector<1xi32>
        %mul3A_395 = arith.constant 128 : i32
        %mul3A_396 = arith.muli %squeeze3A_394, %mul3A_395 : i32
        %add3A_397 = arith.addi %mul3A_396, %squeeze3A_379 : i32
        %mul3A_398 = arith.constant 1152 : i32
        %mul3A_399 = vector.broadcast %mul3A_398 : i32 to vector<16xi32>
        %mul3A_400 = arith.muli %min3A_4, %mul3A_399 : vector<16xi32>
        %add3A_401 = vector.broadcast %mul3A_275 : i32 to vector<16xi32>
        %add3A_402 = arith.addi %add3A_401, %mul3A_400 : vector<16xi32>
        %add3A_403 = vector.broadcast %add3A_397 : i32 to vector<16xi32>
        %add3A_404 = arith.addi %add3A_402, %add3A_403 : vector<16xi32>
        %gather3A_405 = tpu.vector_load_idx %arg6[%add3A_404] : memref<18432xf32, #tpu.memory_space<vmem>>[vector<16xi32>], vector<16xf32>,
        %masked_sort3A_406 = arith.constant dense<true> : vector<16xi1>
        %masked_sort3A_407, %masked_sort3A_408, %masked_sort3A_409 = tpu.sort %gather3A_405, %iota3A masked %masked_sort3A_406 {descending = true} : (vector<16xf32>, vector<16xi32>, vector<16xi1>) -> (vector<16xi1>, vector<16xf32>, vector<16xi32>)
        %slice3A_410 = vector.extract_strided_slice %masked_sort3A_409 {offsets = [0], sizes = [1], strides = [1]} : vector<16xi32> to vector<1xi32>
        %squeeze3A_411 = vector.extract %slice3A_410[0] : i32 from vector<1xi32>
        %mul3A_412 = arith.constant 1152 : i32
        %mul3A_413 = arith.muli %squeeze3A_411, %mul3A_412 : i32
        %add3A_414 = arith.addi %mul3A_413, %add3A_397 : i32
        %add3A_415 = arith.addi %mul3A_275, %add3A_414 : i32
        %sub3A_416 = arith.subi %add3A_415, %and3A_381 : i32
        %get3A_417 = arith.index_cast %sub3A_416 : i32 to index
        %get3A_418 = tpu.vector_load %arg6[%get3A_417] {strides = array<i32>} : memref<18432xf32, #tpu.memory_space<vmem>>, vector<16xf32>,
        %eq3A = vector.broadcast %and3A_381 : i32 to vector<16xi32>
        %eq3A_419 = arith.cmpi eq, %iota3A, %eq3A : vector<16xi32>
        %broadcast_in_dim3A_420 = vector.broadcast %scan3A_72 : f32 to vector<16xf32>
        %select_n3A_421 = arith.select %eq3A_419, %broadcast_in_dim3A_420, %get3A_418 : vector<16xi1>, vector<16xf32>
        %add3A_422 = arith.addi %mul3A_275, %add3A_414 : i32
        %sub3A_423 = arith.subi %add3A_422, %and3A_381 : i32
        %swap3A_424 = arith.index_cast %sub3A_423 : i32 to index
        %swap3A_425 = tpu.vector_load %arg6[%swap3A_424] {strides = array<i32>} : memref<18432xf32, #tpu.memory_space<vmem>>, vector<16xf32>,
        tpu.vector_store %arg6[%swap3A_424], %select_n3A_421 {strides = array<i32>} : memref<18432xf32, #tpu.memory_space<vmem>>, vector<16xf32>,
        %add3A_426 = arith.addi %mul3A_275, %add3A_397 : i32
        %sub3A_427 = arith.subi %add3A_426, %and3A_381 : i32
        %get3A_428 = arith.index_cast %sub3A_427 : i32 to index
        %get3A_429 = tpu.vector_load %arg6[%get3A_428] {strides = array<i32>} : memref<18432xf32, #tpu.memory_space<vmem>>, vector<16xf32>,
        %add3A_430 = arith.constant 1152 : i32
        %add3A_431 = arith.addi %mul3A_275, %add3A_430 : i32
        %add3A_432 = arith.addi %add3A_431, %add3A_397 : i32
        %sub3A_433 = arith.subi %add3A_432, %and3A_381 : i32
        %get3A_434 = arith.index_cast %sub3A_433 : i32 to index
        %get3A_435 = tpu.vector_load %arg6[%get3A_434] {strides = array<i32>} : memref<18432xf32, #tpu.memory_space<vmem>>, vector<16xf32>,
        %max3A = arith.maximumf %get3A_429, %get3A_435 : vector<16xf32>
        %add3A_436 = arith.constant 2304 : i32
        %add3A_437 = arith.addi %mul3A_275, %add3A_436 : i32
        %add3A_438 = arith.addi %add3A_437, %add3A_397 : i32
        %sub3A_439 = arith.subi %add3A_438, %and3A_381 : i32
        %get3A_440 = arith.index_cast %sub3A_439 : i32 to index
        %get3A_441 = tpu.vector_load %arg6[%get3A_440] {strides = array<i32>} : memref<18432xf32, #tpu.memory_space<vmem>>, vector<16xf32>,
        %max3A_442 = arith.maximumf %max3A, %get3A_441 : vector<16xf32>
        %add3A_443 = arith.constant 3456 : i32
        %add3A_444 = arith.addi %mul3A_275, %add3A_443 : i32
        %add3A_445 = arith.addi %add3A_444, %add3A_397 : i32
        %sub3A_446 = arith.subi %add3A_445, %and3A_381 : i32
        %get3A_447 = arith.index_cast %sub3A_446 : i32 to index
        %get3A_448 = tpu.vector_load %arg6[%get3A_447] {strides = array<i32>} : memref<18432xf32, #tpu.memory_space<vmem>>, vector<16xf32>,
        %max3A_449 = arith.maximumf %max3A_442, %get3A_448 : vector<16xf32>
        %add3A_450 = arith.constant 4608 : i32
        %add3A_451 = arith.addi %mul3A_275, %add3A_450 : i32
        %add3A_452 = arith.addi %add3A_451, %add3A_397 : i32
        %sub3A_453 = arith.subi %add3A_452, %and3A_381 : i32
        %get3A_454 = arith.index_cast %sub3A_453 : i32 to index
        %get3A_455 = tpu.vector_load %arg6[%get3A_454] {strides = array<i32>} : memref<18432xf32, #tpu.memory_space<vmem>>, vector<16xf32>,
        %max3A_456 = arith.maximumf %max3A_449, %get3A_455 : vector<16xf32>
        %add3A_457 = arith.constant 5760 : i32
        %add3A_458 = arith.addi %mul3A_275, %add3A_457 : i32
        %add3A_459 = arith.addi %add3A_458, %add3A_397 : i32
        %sub3A_460 = arith.subi %add3A_459, %and3A_381 : i32
        %get3A_461 = arith.index_cast %sub3A_460 : i32 to index
        %get3A_462 = tpu.vector_load %arg6[%get3A_461] {strides = array<i32>} : memref<18432xf32, #tpu.memory_space<vmem>>, vector<16xf32>,
        %max3A_463 = arith.maximumf %max3A_456, %get3A_462 : vector<16xf32>
        %add3A_464 = arith.constant 6912 : i32
        %add3A_465 = arith.addi %mul3A_275, %add3A_464 : i32
        %add3A_466 = arith.addi %add3A_465, %add3A_397 : i32
        %sub3A_467 = arith.subi %add3A_466, %and3A_381 : i32
        %get3A_468 = arith.index_cast %sub3A_467 : i32 to index
        %get3A_469 = tpu.vector_load %arg6[%get3A_468] {strides = array<i32>} : memref<18432xf32, #tpu.memory_space<vmem>>, vector<16xf32>,
        %max3A_470 = arith.maximumf %max3A_463, %get3A_469 : vector<16xf32>
        %add3A_471 = arith.constant 8064 : i32
        %add3A_472 = arith.addi %mul3A_275, %add3A_471 : i32
        %add3A_473 = arith.addi %add3A_472, %add3A_397 : i32
        %sub3A_474 = arith.subi %add3A_473, %and3A_381 : i32
        %get3A_475 = arith.index_cast %sub3A_474 : i32 to index
        %get3A_476 = tpu.vector_load %arg6[%get3A_475] {strides = array<i32>} : memref<18432xf32, #tpu.memory_space<vmem>>, vector<16xf32>,
        %max3A_477 = arith.maximumf %max3A_470, %get3A_476 : vector<16xf32>
        %add3A_478 = arith.addi %mul3A_277, %add3A_397 : i32
        %sub3A_479 = arith.subi %add3A_478, %and3A_381 : i32
        %swap3A_480 = arith.index_cast %sub3A_479 : i32 to index
        %swap3A_481 = tpu.vector_load %arg7[%swap3A_480] {strides = array<i32>} : memref<2304xf32, #tpu.memory_space<vmem>>, vector<16xf32>,
        tpu.vector_store %arg7[%swap3A_480], %max3A_477 {strides = array<i32>} : memref<2304xf32, #tpu.memory_space<vmem>>, vector<16xf32>,
        %add3A_482 = arith.addi %mul3A_277, %squeeze3A_379 : i32
        %sub3A_483 = arith.subi %add3A_482, %and3A_381 : i32
        %get3A_484 = arith.index_cast %sub3A_483 : i32 to index
        %get3A_485 = tpu.vector_load %arg7[%get3A_484] {strides = array<i32>} : memref<2304xf32, #tpu.memory_space<vmem>>, vector<16xf32>,
        %add3A_486 = arith.constant 128 : i32
        %add3A_487 = arith.addi %mul3A_277, %add3A_486 : i32
        %add3A_488 = arith.addi %add3A_487, %squeeze3A_379 : i32
        %sub3A_489 = arith.subi %add3A_488, %and3A_381 : i32
        %get3A_490 = arith.index_cast %sub3A_489 : i32 to index
        %get3A_491 = tpu.vector_load %arg7[%get3A_490] {strides = array<i32>} : memref<2304xf32, #tpu.memory_space<vmem>>, vector<16xf32>,
        %max3A_492 = arith.maximumf %get3A_485, %get3A_491 : vector<16xf32>
        %add3A_493 = arith.constant 256 : i32
        %add3A_494 = arith.addi %mul3A_277, %add3A_493 : i32
        %add3A_495 = arith.addi %add3A_494, %squeeze3A_379 : i32
        %sub3A_496 = arith.subi %add3A_495, %and3A_381 : i32
        %get3A_497 = arith.index_cast %sub3A_496 : i32 to index
        %get3A_498 = tpu.vector_load %arg7[%get3A_497] {strides = array<i32>} : memref<2304xf32, #tpu.memory_space<vmem>>, vector<16xf32>,
        %max3A_499 = arith.maximumf %max3A_492, %get3A_498 : vector<16xf32>
        %add3A_500 = arith.constant 384 : i32
        %add3A_501 = arith.addi %mul3A_277, %add3A_500 : i32
        %add3A_502 = arith.addi %add3A_501, %squeeze3A_379 : i32
        %sub3A_503 = arith.subi %add3A_502, %and3A_381 : i32
        %get3A_504 = arith.index_cast %sub3A_503 : i32 to index
        %get3A_505 = tpu.vector_load %arg7[%get3A_504] {strides = array<i32>} : memref<2304xf32, #tpu.memory_space<vmem>>, vector<16xf32>,
        %max3A_506 = arith.maximumf %max3A_499, %get3A_505 : vector<16xf32>
        %add3A_507 = arith.constant 512 : i32
        %add3A_508 = arith.addi %mul3A_277, %add3A_507 : i32
        %add3A_509 = arith.addi %add3A_508, %squeeze3A_379 : i32
        %sub3A_510 = arith.subi %add3A_509, %and3A_381 : i32
        %get3A_511 = arith.index_cast %sub3A_510 : i32 to index
        %get3A_512 = tpu.vector_load %arg7[%get3A_511] {strides = array<i32>} : memref<2304xf32, #tpu.memory_space<vmem>>, vector<16xf32>,
        %max3A_513 = arith.maximumf %max3A_506, %get3A_512 : vector<16xf32>
        %add3A_514 = arith.constant 640 : i32
        %add3A_515 = arith.addi %mul3A_277, %add3A_514 : i32
        %add3A_516 = arith.addi %add3A_515, %squeeze3A_379 : i32
        %sub3A_517 = arith.subi %add3A_516, %and3A_381 : i32
        %get3A_518 = arith.index_cast %sub3A_517 : i32 to index
        %get3A_519 = tpu.vector_load %arg7[%get3A_518] {strides = array<i32>} : memref<2304xf32, #tpu.memory_space<vmem>>, vector<16xf32>,
        %max3A_520 = arith.maximumf %max3A_513, %get3A_519 : vector<16xf32>
        %add3A_521 = arith.constant 768 : i32
        %add3A_522 = arith.addi %mul3A_277, %add3A_521 : i32
        %add3A_523 = arith.addi %add3A_522, %squeeze3A_379 : i32
        %sub3A_524 = arith.subi %add3A_523, %and3A_381 : i32
        %get3A_525 = arith.index_cast %sub3A_524 : i32 to index
        %get3A_526 = tpu.vector_load %arg7[%get3A_525] {strides = array<i32>} : memref<2304xf32, #tpu.memory_space<vmem>>, vector<16xf32>,
        %max3A_527 = arith.maximumf %max3A_520, %get3A_526 : vector<16xf32>
        %add3A_528 = arith.constant 896 : i32
        %add3A_529 = arith.addi %mul3A_277, %add3A_528 : i32
        %add3A_530 = arith.addi %add3A_529, %squeeze3A_379 : i32
        %sub3A_531 = arith.subi %add3A_530, %and3A_381 : i32
        %get3A_532 = arith.index_cast %sub3A_531 : i32 to index
        %get3A_533 = tpu.vector_load %arg7[%get3A_532] {strides = array<i32>} : memref<2304xf32, #tpu.memory_space<vmem>>, vector<16xf32>,
        %max3A_534 = arith.maximumf %max3A_527, %get3A_533 : vector<16xf32>
        %add3A_535 = arith.constant 1024 : i32
        %add3A_536 = arith.addi %mul3A_277, %add3A_535 : i32
        %add3A_537 = arith.addi %add3A_536, %squeeze3A_379 : i32
        %sub3A_538 = arith.subi %add3A_537, %and3A_381 : i32
        %get3A_539 = arith.index_cast %sub3A_538 : i32 to index
        %get3A_540 = tpu.vector_load %arg7[%get3A_539] {strides = array<i32>} : memref<2304xf32, #tpu.memory_space<vmem>>, vector<16xf32>,
        %max3A_541 = arith.maximumf %max3A_534, %get3A_540 : vector<16xf32>
        %add3A_542 = arith.addi %mul3A_279, %squeeze3A_379 : i32
        %sub3A_543 = arith.subi %add3A_542, %and3A_381 : i32
        %swap3A_544 = arith.index_cast %sub3A_543 : i32 to index
        %swap3A_545 = tpu.vector_load %arg8[%swap3A_544] {strides = array<i32>} : memref<256xf32, #tpu.memory_space<vmem>>, vector<16xf32>,
        tpu.vector_store %arg8[%swap3A_544], %max3A_541 {strides = array<i32>} : memref<256xf32, #tpu.memory_space<vmem>>, vector<16xf32>,
        %sub3A_546 = arith.constant 1 : i32
        %sub3A_547 = arith.subi %scan3A_303, %sub3A_546 : i32
        %eq3A_548 = vector.broadcast %sub3A_547 : i32 to vector<16xi32>
        %eq3A_549 = arith.cmpi eq, %iota3A, %eq3A_548 : vector<16xi32>
        %broadcast_in_dim3A_550 = vector.broadcast %add3A_414 : i32 to vector<16xi32>
        %select_n3A_551 = arith.select %eq3A_549, %broadcast_in_dim3A_550, %scan3A_304 : vector<16xi1>, vector<16xi32>
        %get3A_552 = arith.index_cast %mul3A_279 : i32 to index
        %get3A_553 = tpu.vector_load %arg12[%get3A_552] {strides = array<i32>} : memref<256xf32, #tpu.memory_space<vmem>>, vector<16xf32>,
        %broadcast_in_dim3A_554 = arith.constant 0 : i32
        %broadcast_in_dim3A_555 = vector.broadcast %broadcast_in_dim3A_554 : i32 to vector<16xi32>
        %add3A_556 = arith.constant 16 : i32
        %add3A_557 = arith.addi %mul3A_279, %add3A_556 : i32
        %get3A_558 = arith.index_cast %add3A_557 : i32 to index
        %get3A_559 = tpu.vector_load %arg12[%get3A_558] {strides = array<i32>} : memref<256xf32, #tpu.memory_space<vmem>>, vector<16xf32>,
        %gt3A_560 = arith.cmpf ogt, %get3A_559, %get3A_553 : vector<16xf32>
        %select_n3A_561 = arith.select %gt3A_560, %get3A_559, %get3A_553 : vector<16xi1>, vector<16xf32>
        %jit3A_562 = arith.constant 1 : i32
        %broadcast_in_dim3A_563 = vector.broadcast %jit3A_562 : i32 to vector<16xi32>
        %select_n3A_564 = arith.select %gt3A_560, %broadcast_in_dim3A_563, %broadcast_in_dim3A_555 : vector<16xi1>, vector<16xi32>
        %add3A_565 = arith.constant 32 : i32
        %add3A_566 = arith.addi %mul3A_279, %add3A_565 : i32
        %get3A_567 = arith.index_cast %add3A_566 : i32 to index
        %get3A_568 = tpu.vector_load %arg12[%get3A_567] {strides = array<i32>} : memref<256xf32, #tpu.memory_space<vmem>>, vector<16xf32>,
        %gt3A_569 = arith.cmpf ogt, %get3A_568, %select_n3A_561 : vector<16xf32>
        %select_n3A_570 = arith.select %gt3A_569, %get3A_568, %select_n3A_561 : vector<16xi1>, vector<16xf32>
        %jit3A_571 = arith.constant 2 : i32
        %broadcast_in_dim3A_572 = vector.broadcast %jit3A_571 : i32 to vector<16xi32>
        %select_n3A_573 = arith.select %gt3A_569, %broadcast_in_dim3A_572, %select_n3A_564 : vector<16xi1>, vector<16xi32>
        %add3A_574 = arith.constant 48 : i32
        %add3A_575 = arith.addi %mul3A_279, %add3A_574 : i32
        %get3A_576 = arith.index_cast %add3A_575 : i32 to index
        %get3A_577 = tpu.vector_load %arg12[%get3A_576] {strides = array<i32>} : memref<256xf32, #tpu.memory_space<vmem>>, vector<16xf32>,
        %gt3A_578 = arith.cmpf ogt, %get3A_577, %select_n3A_570 : vector<16xf32>
        %select_n3A_579 = arith.select %gt3A_578, %get3A_577, %select_n3A_570 : vector<16xi1>, vector<16xf32>
        %jit3A_580 = arith.constant 3 : i32
        %broadcast_in_dim3A_581 = vector.broadcast %jit3A_580 : i32 to vector<16xi32>
        %select_n3A_582 = arith.select %gt3A_578, %broadcast_in_dim3A_581, %select_n3A_573 : vector<16xi1>, vector<16xi32>
        %add3A_583 = arith.constant 64 : i32
        %add3A_584 = arith.addi %mul3A_279, %add3A_583 : i32
        %get3A_585 = arith.index_cast %add3A_584 : i32 to index
        %get3A_586 = tpu.vector_load %arg12[%get3A_585] {strides = array<i32>} : memref<256xf32, #tpu.memory_space<vmem>>, vector<16xf32>,
        %gt3A_587 = arith.cmpf ogt, %get3A_586, %select_n3A_579 : vector<16xf32>
        %select_n3A_588 = arith.select %gt3A_587, %get3A_586, %select_n3A_579 : vector<16xi1>, vector<16xf32>
        %jit3A_589 = arith.constant 4 : i32
        %broadcast_in_dim3A_590 = vector.broadcast %jit3A_589 : i32 to vector<16xi32>
        %select_n3A_591 = arith.select %gt3A_587, %broadcast_in_dim3A_590, %select_n3A_582 : vector<16xi1>, vector<16xi32>
        %add3A_592 = arith.constant 80 : i32
        %add3A_593 = arith.addi %mul3A_279, %add3A_592 : i32
        %get3A_594 = arith.index_cast %add3A_593 : i32 to index
        %get3A_595 = tpu.vector_load %arg12[%get3A_594] {strides = array<i32>} : memref<256xf32, #tpu.memory_space<vmem>>, vector<16xf32>,
        %gt3A_596 = arith.cmpf ogt, %get3A_595, %select_n3A_588 : vector<16xf32>
        %select_n3A_597 = arith.select %gt3A_596, %get3A_595, %select_n3A_588 : vector<16xi1>, vector<16xf32>
        %jit3A_598 = arith.constant 5 : i32
        %broadcast_in_dim3A_599 = vector.broadcast %jit3A_598 : i32 to vector<16xi32>
        %select_n3A_600 = arith.select %gt3A_596, %broadcast_in_dim3A_599, %select_n3A_591 : vector<16xi1>, vector<16xi32>
        %add3A_601 = arith.constant 96 : i32
        %add3A_602 = arith.addi %mul3A_279, %add3A_601 : i32
        %get3A_603 = arith.index_cast %add3A_602 : i32 to index
        %get3A_604 = tpu.vector_load %arg12[%get3A_603] {strides = array<i32>} : memref<256xf32, #tpu.memory_space<vmem>>, vector<16xf32>,
        %gt3A_605 = arith.cmpf ogt, %get3A_604, %select_n3A_597 : vector<16xf32>
        %select_n3A_606 = arith.select %gt3A_605, %get3A_604, %select_n3A_597 : vector<16xi1>, vector<16xf32>
        %jit3A_607 = arith.constant 6 : i32
        %broadcast_in_dim3A_608 = vector.broadcast %jit3A_607 : i32 to vector<16xi32>
        %select_n3A_609 = arith.select %gt3A_605, %broadcast_in_dim3A_608, %select_n3A_600 : vector<16xi1>, vector<16xi32>
        %add3A_610 = arith.constant 112 : i32
        %add3A_611 = arith.addi %mul3A_279, %add3A_610 : i32
        %get3A_612 = arith.index_cast %add3A_611 : i32 to index
        %get3A_613 = tpu.vector_load %arg12[%get3A_612] {strides = array<i32>} : memref<256xf32, #tpu.memory_space<vmem>>, vector<16xf32>,
        %gt3A_614 = arith.cmpf ogt, %get3A_613, %select_n3A_606 : vector<16xf32>
        %select_n3A_615 = arith.select %gt3A_614, %get3A_613, %select_n3A_606 : vector<16xi1>, vector<16xf32>
        %jit3A_616 = arith.constant 7 : i32
        %broadcast_in_dim3A_617 = vector.broadcast %jit3A_616 : i32 to vector<16xi32>
        %select_n3A_618 = arith.select %gt3A_614, %broadcast_in_dim3A_617, %select_n3A_609 : vector<16xi1>, vector<16xi32>
        %mul3A_619 = arith.constant 16 : i32
        %mul3A_620 = vector.broadcast %mul3A_619 : i32 to vector<16xi32>
        %mul3A_621 = arith.muli %select_n3A_618, %mul3A_620 : vector<16xi32>
        %add3A_622 = arith.addi %mul3A_621, %iota3A : vector<16xi32>
        %masked_sort3A_623 = arith.constant dense<true> : vector<16xi1>
        %masked_sort3A_624, %masked_sort3A_625, %masked_sort3A_626 = tpu.sort %select_n3A_615, %add3A_622 masked %masked_sort3A_623 {descending = true} : (vector<16xf32>, vector<16xi32>, vector<16xi1>) -> (vector<16xi1>, vector<16xf32>, vector<16xi32>)
        %slice3A_627 = vector.extract_strided_slice %masked_sort3A_625 {offsets = [0], sizes = [1], strides = [1]} : vector<16xf32> to vector<1xf32>
        %squeeze3A_628 = vector.extract %slice3A_627[0] : f32 from vector<1xf32>
        %slice3A_629 = vector.extract_strided_slice %masked_sort3A_626 {offsets = [0], sizes = [1], strides = [1]} : vector<16xi32> to vector<1xi32>
        %squeeze3A_630 = vector.extract %slice3A_629[0] : i32 from vector<1xi32>
        %and3A_631 = arith.constant 15 : i32
        %and3A_632 = arith.andi %squeeze3A_630, %and3A_631 : i32
        %mul3A_633 = arith.constant 128 : i32
        %mul3A_634 = vector.broadcast %mul3A_633 : i32 to vector<16xi32>
        %mul3A_635 = arith.muli %min3A_7, %mul3A_634 : vector<16xi32>
        %add3A_636 = vector.broadcast %mul3A_277 : i32 to vector<16xi32>
        %add3A_637 = arith.addi %add3A_636, %mul3A_635 : vector<16xi32>
        %add3A_638 = vector.broadcast %squeeze3A_630 : i32 to vector<16xi32>
        %add3A_639 = arith.addi %add3A_637, %add3A_638 : vector<16xi32>
        %gather3A_640 = tpu.vector_load_idx %arg11[%add3A_639] : memref<2304xf32, #tpu.memory_space<vmem>>[vector<16xi32>], vector<16xf32>,
        %masked_sort3A_641 = arith.constant dense<true> : vector<16xi1>
        %masked_sort3A_642, %masked_sort3A_643, %masked_sort3A_644 = tpu.sort %gather3A_640, %iota3A masked %masked_sort3A_641 {descending = true} : (vector<16xf32>, vector<16xi32>, vector<16xi1>) -> (vector<16xi1>, vector<16xf32>, vector<16xi32>)
        %slice3A_645 = vector.extract_strided_slice %masked_sort3A_644 {offsets = [0], sizes = [1], strides = [1]} : vector<16xi32> to vector<1xi32>
        %squeeze3A_646 = vector.extract %slice3A_645[0] : i32 from vector<1xi32>
        %mul3A_647 = arith.constant 128 : i32
        %mul3A_648 = arith.muli %squeeze3A_646, %mul3A_647 : i32
        %add3A_649 = arith.addi %mul3A_648, %squeeze3A_630 : i32
        %mul3A_650 = arith.constant 1152 : i32
        %mul3A_651 = vector.broadcast %mul3A_650 : i32 to vector<16xi32>
        %mul3A_652 = arith.muli %min3A_4, %mul3A_651 : vector<16xi32>
        %add3A_653 = vector.broadcast %mul3A_275 : i32 to vector<16xi32>
        %add3A_654 = arith.addi %add3A_653, %mul3A_652 : vector<16xi32>
        %add3A_655 = vector.broadcast %add3A_649 : i32 to vector<16xi32>
        %add3A_656 = arith.addi %add3A_654, %add3A_655 : vector<16xi32>
        %gather3A_657 = tpu.vector_load_idx %arg10[%add3A_656] : memref<18432xf32, #tpu.memory_space<vmem>>[vector<16xi32>], vector<16xf32>,
        %masked_sort3A_658 = arith.constant dense<true> : vector<16xi1>
        %masked_sort3A_659, %masked_sort3A_660, %masked_sort3A_661 = tpu.sort %gather3A_657, %iota3A masked %masked_sort3A_658 {descending = true} : (vector<16xf32>, vector<16xi32>, vector<16xi1>) -> (vector<16xi1>, vector<16xf32>, vector<16xi32>)
        %slice3A_662 = vector.extract_strided_slice %masked_sort3A_661 {offsets = [0], sizes = [1], strides = [1]} : vector<16xi32> to vector<1xi32>
        %squeeze3A_663 = vector.extract %slice3A_662[0] : i32 from vector<1xi32>
        %mul3A_664 = arith.constant 1152 : i32
        %mul3A_665 = arith.muli %squeeze3A_663, %mul3A_664 : i32
        %add3A_666 = arith.addi %mul3A_665, %add3A_649 : i32
        %add3A_667 = arith.addi %mul3A_275, %add3A_666 : i32
        %sub3A_668 = arith.subi %add3A_667, %and3A_632 : i32
        %get3A_669 = arith.index_cast %sub3A_668 : i32 to index
        %get3A_670 = tpu.vector_load %arg10[%get3A_669] {strides = array<i32>} : memref<18432xf32, #tpu.memory_space<vmem>>, vector<16xf32>,
        %eq3A_671 = vector.broadcast %and3A_632 : i32 to vector<16xi32>
        %eq3A_672 = arith.cmpi eq, %iota3A, %eq3A_671 : vector<16xi32>
        %broadcast_in_dim3A_673 = vector.broadcast %scan3A_72 : f32 to vector<16xf32>
        %select_n3A_674 = arith.select %eq3A_672, %broadcast_in_dim3A_673, %get3A_670 : vector<16xi1>, vector<16xf32>
        %add3A_675 = arith.addi %mul3A_275, %add3A_666 : i32
        %sub3A_676 = arith.subi %add3A_675, %and3A_632 : i32
        %swap3A_677 = arith.index_cast %sub3A_676 : i32 to index
        %swap3A_678 = tpu.vector_load %arg10[%swap3A_677] {strides = array<i32>} : memref<18432xf32, #tpu.memory_space<vmem>>, vector<16xf32>,
        tpu.vector_store %arg10[%swap3A_677], %select_n3A_674 {strides = array<i32>} : memref<18432xf32, #tpu.memory_space<vmem>>, vector<16xf32>,
        %add3A_679 = arith.addi %mul3A_275, %add3A_649 : i32
        %sub3A_680 = arith.subi %add3A_679, %and3A_632 : i32
        %get3A_681 = arith.index_cast %sub3A_680 : i32 to index
        %get3A_682 = tpu.vector_load %arg10[%get3A_681] {strides = array<i32>} : memref<18432xf32, #tpu.memory_space<vmem>>, vector<16xf32>,
        %add3A_683 = arith.constant 1152 : i32
        %add3A_684 = arith.addi %mul3A_275, %add3A_683 : i32
        %add3A_685 = arith.addi %add3A_684, %add3A_649 : i32
        %sub3A_686 = arith.subi %add3A_685, %and3A_632 : i32
        %get3A_687 = arith.index_cast %sub3A_686 : i32 to index
        %get3A_688 = tpu.vector_load %arg10[%get3A_687] {strides = array<i32>} : memref<18432xf32, #tpu.memory_space<vmem>>, vector<16xf32>,
        %max3A_689 = arith.maximumf %get3A_682, %get3A_688 : vector<16xf32>
        %add3A_690 = arith.constant 2304 : i32
        %add3A_691 = arith.addi %mul3A_275, %add3A_690 : i32
        %add3A_692 = arith.addi %add3A_691, %add3A_649 : i32
        %sub3A_693 = arith.subi %add3A_692, %and3A_632 : i32
        %get3A_694 = arith.index_cast %sub3A_693 : i32 to index
        %get3A_695 = tpu.vector_load %arg10[%get3A_694] {strides = array<i32>} : memref<18432xf32, #tpu.memory_space<vmem>>, vector<16xf32>,
        %max3A_696 = arith.maximumf %max3A_689, %get3A_695 : vector<16xf32>
        %add3A_697 = arith.constant 3456 : i32
        %add3A_698 = arith.addi %mul3A_275, %add3A_697 : i32
        %add3A_699 = arith.addi %add3A_698, %add3A_649 : i32
        %sub3A_700 = arith.subi %add3A_699, %and3A_632 : i32
        %get3A_701 = arith.index_cast %sub3A_700 : i32 to index
        %get3A_702 = tpu.vector_load %arg10[%get3A_701] {strides = array<i32>} : memref<18432xf32, #tpu.memory_space<vmem>>, vector<16xf32>,
        %max3A_703 = arith.maximumf %max3A_696, %get3A_702 : vector<16xf32>
        %add3A_704 = arith.constant 4608 : i32
        %add3A_705 = arith.addi %mul3A_275, %add3A_704 : i32
        %add3A_706 = arith.addi %add3A_705, %add3A_649 : i32
        %sub3A_707 = arith.subi %add3A_706, %and3A_632 : i32
        %get3A_708 = arith.index_cast %sub3A_707 : i32 to index
        %get3A_709 = tpu.vector_load %arg10[%get3A_708] {strides = array<i32>} : memref<18432xf32, #tpu.memory_space<vmem>>, vector<16xf32>,
        %max3A_710 = arith.maximumf %max3A_703, %get3A_709 : vector<16xf32>
        %add3A_711 = arith.constant 5760 : i32
        %add3A_712 = arith.addi %mul3A_275, %add3A_711 : i32
        %add3A_713 = arith.addi %add3A_712, %add3A_649 : i32
        %sub3A_714 = arith.subi %add3A_713, %and3A_632 : i32
        %get3A_715 = arith.index_cast %sub3A_714 : i32 to index
        %get3A_716 = tpu.vector_load %arg10[%get3A_715] {strides = array<i32>} : memref<18432xf32, #tpu.memory_space<vmem>>, vector<16xf32>,
        %max3A_717 = arith.maximumf %max3A_710, %get3A_716 : vector<16xf32>
        %add3A_718 = arith.constant 6912 : i32
        %add3A_719 = arith.addi %mul3A_275, %add3A_718 : i32
        %add3A_720 = arith.addi %add3A_719, %add3A_649 : i32
        %sub3A_721 = arith.subi %add3A_720, %and3A_632 : i32
        %get3A_722 = arith.index_cast %sub3A_721 : i32 to index
        %get3A_723 = tpu.vector_load %arg10[%get3A_722] {strides = array<i32>} : memref<18432xf32, #tpu.memory_space<vmem>>, vector<16xf32>,
        %max3A_724 = arith.maximumf %max3A_717, %get3A_723 : vector<16xf32>
        %add3A_725 = arith.constant 8064 : i32
        %add3A_726 = arith.addi %mul3A_275, %add3A_725 : i32
        %add3A_727 = arith.addi %add3A_726, %add3A_649 : i32
        %sub3A_728 = arith.subi %add3A_727, %and3A_632 : i32
        %get3A_729 = arith.index_cast %sub3A_728 : i32 to index
        %get3A_730 = tpu.vector_load %arg10[%get3A_729] {strides = array<i32>} : memref<18432xf32, #tpu.memory_space<vmem>>, vector<16xf32>,
        %max3A_731 = arith.maximumf %max3A_724, %get3A_730 : vector<16xf32>
        %add3A_732 = arith.addi %mul3A_277, %add3A_649 : i32
        %sub3A_733 = arith.subi %add3A_732, %and3A_632 : i32
        %swap3A_734 = arith.index_cast %sub3A_733 : i32 to index
        %swap3A_735 = tpu.vector_load %arg11[%swap3A_734] {strides = array<i32>} : memref<2304xf32, #tpu.memory_space<vmem>>, vector<16xf32>,
        tpu.vector_store %arg11[%swap3A_734], %max3A_731 {strides = array<i32>} : memref<2304xf32, #tpu.memory_space<vmem>>, vector<16xf32>,
        %add3A_736 = arith.addi %mul3A_277, %squeeze3A_630 : i32
        %sub3A_737 = arith.subi %add3A_736, %and3A_632 : i32
        %get3A_738 = arith.index_cast %sub3A_737 : i32 to index
        %get3A_739 = tpu.vector_load %arg11[%get3A_738] {strides = array<i32>} : memref<2304xf32, #tpu.memory_space<vmem>>, vector<16xf32>,
        %add3A_740 = arith.constant 128 : i32
        %add3A_741 = arith.addi %mul3A_277, %add3A_740 : i32
        %add3A_742 = arith.addi %add3A_741, %squeeze3A_630 : i32
        %sub3A_743 = arith.subi %add3A_742, %and3A_632 : i32
        %get3A_744 = arith.index_cast %sub3A_743 : i32 to index
        %get3A_745 = tpu.vector_load %arg11[%get3A_744] {strides = array<i32>} : memref<2304xf32, #tpu.memory_space<vmem>>, vector<16xf32>,
        %max3A_746 = arith.maximumf %get3A_739, %get3A_745 : vector<16xf32>
        %add3A_747 = arith.constant 256 : i32
        %add3A_748 = arith.addi %mul3A_277, %add3A_747 : i32
        %add3A_749 = arith.addi %add3A_748, %squeeze3A_630 : i32
        %sub3A_750 = arith.subi %add3A_749, %and3A_632 : i32
        %get3A_751 = arith.index_cast %sub3A_750 : i32 to index
        %get3A_752 = tpu.vector_load %arg11[%get3A_751] {strides = array<i32>} : memref<2304xf32, #tpu.memory_space<vmem>>, vector<16xf32>,
        %max3A_753 = arith.maximumf %max3A_746, %get3A_752 : vector<16xf32>
        %add3A_754 = arith.constant 384 : i32
        %add3A_755 = arith.addi %mul3A_277, %add3A_754 : i32
        %add3A_756 = arith.addi %add3A_755, %squeeze3A_630 : i32
        %sub3A_757 = arith.subi %add3A_756, %and3A_632 : i32
        %get3A_758 = arith.index_cast %sub3A_757 : i32 to index
        %get3A_759 = tpu.vector_load %arg11[%get3A_758] {strides = array<i32>} : memref<2304xf32, #tpu.memory_space<vmem>>, vector<16xf32>,
        %max3A_760 = arith.maximumf %max3A_753, %get3A_759 : vector<16xf32>
        %add3A_761 = arith.constant 512 : i32
        %add3A_762 = arith.addi %mul3A_277, %add3A_761 : i32
        %add3A_763 = arith.addi %add3A_762, %squeeze3A_630 : i32
        %sub3A_764 = arith.subi %add3A_763, %and3A_632 : i32
        %get3A_765 = arith.index_cast %sub3A_764 : i32 to index
        %get3A_766 = tpu.vector_load %arg11[%get3A_765] {strides = array<i32>} : memref<2304xf32, #tpu.memory_space<vmem>>, vector<16xf32>,
        %max3A_767 = arith.maximumf %max3A_760, %get3A_766 : vector<16xf32>
        %add3A_768 = arith.constant 640 : i32
        %add3A_769 = arith.addi %mul3A_277, %add3A_768 : i32
        %add3A_770 = arith.addi %add3A_769, %squeeze3A_630 : i32
        %sub3A_771 = arith.subi %add3A_770, %and3A_632 : i32
        %get3A_772 = arith.index_cast %sub3A_771 : i32 to index
        %get3A_773 = tpu.vector_load %arg11[%get3A_772] {strides = array<i32>} : memref<2304xf32, #tpu.memory_space<vmem>>, vector<16xf32>,
        %max3A_774 = arith.maximumf %max3A_767, %get3A_773 : vector<16xf32>
        %add3A_775 = arith.constant 768 : i32
        %add3A_776 = arith.addi %mul3A_277, %add3A_775 : i32
        %add3A_777 = arith.addi %add3A_776, %squeeze3A_630 : i32
        %sub3A_778 = arith.subi %add3A_777, %and3A_632 : i32
        %get3A_779 = arith.index_cast %sub3A_778 : i32 to index
        %get3A_780 = tpu.vector_load %arg11[%get3A_779] {strides = array<i32>} : memref<2304xf32, #tpu.memory_space<vmem>>, vector<16xf32>,
        %max3A_781 = arith.maximumf %max3A_774, %get3A_780 : vector<16xf32>
        %add3A_782 = arith.constant 896 : i32
        %add3A_783 = arith.addi %mul3A_277, %add3A_782 : i32
        %add3A_784 = arith.addi %add3A_783, %squeeze3A_630 : i32
        %sub3A_785 = arith.subi %add3A_784, %and3A_632 : i32
        %get3A_786 = arith.index_cast %sub3A_785 : i32 to index
        %get3A_787 = tpu.vector_load %arg11[%get3A_786] {strides = array<i32>} : memref<2304xf32, #tpu.memory_space<vmem>>, vector<16xf32>,
        %max3A_788 = arith.maximumf %max3A_781, %get3A_787 : vector<16xf32>
        %add3A_789 = arith.constant 1024 : i32
        %add3A_790 = arith.addi %mul3A_277, %add3A_789 : i32
        %add3A_791 = arith.addi %add3A_790, %squeeze3A_630 : i32
        %sub3A_792 = arith.subi %add3A_791, %and3A_632 : i32
        %get3A_793 = arith.index_cast %sub3A_792 : i32 to index
        %get3A_794 = tpu.vector_load %arg11[%get3A_793] {strides = array<i32>} : memref<2304xf32, #tpu.memory_space<vmem>>, vector<16xf32>,
        %max3A_795 = arith.maximumf %max3A_788, %get3A_794 : vector<16xf32>
        %add3A_796 = arith.addi %mul3A_279, %squeeze3A_630 : i32
        %sub3A_797 = arith.subi %add3A_796, %and3A_632 : i32
        %swap3A_798 = arith.index_cast %sub3A_797 : i32 to index
        %swap3A_799 = tpu.vector_load %arg12[%swap3A_798] {strides = array<i32>} : memref<256xf32, #tpu.memory_space<vmem>>, vector<16xf32>,
        tpu.vector_store %arg12[%swap3A_798], %max3A_795 {strides = array<i32>} : memref<256xf32, #tpu.memory_space<vmem>>, vector<16xf32>,
        %sub3A_800 = arith.constant 1 : i32
        %sub3A_801 = arith.subi %scan3A_303, %sub3A_800 : i32
        %eq3A_802 = vector.broadcast %sub3A_801 : i32 to vector<16xi32>
        %eq3A_803 = arith.cmpi eq, %iota3A, %eq3A_802 : vector<16xi32>
        %broadcast_in_dim3A_804 = vector.broadcast %add3A_666 : i32 to vector<16xi32>
        %select_n3A_805 = arith.select %eq3A_803, %broadcast_in_dim3A_804, %scan3A_305 : vector<16xi1>, vector<16xi32>
        scf.yield %select_n3A_551, %select_n3A_805 : vector<16xi32>, vector<16xi32>
      }
      %scan3A_288 = arith.constant 17 : i32
      %ge3A = arith.constant 9216 : i32
      %ge3A_289 = arith.cmpi sge, %add3A_141, %ge3A : i32
      %jit3A = arith.constant 9216 : i32
      %jit3A_290 = arith.constant 0 : i32
      %select_n3A = arith.select %ge3A_289, %jit3A, %jit3A_290 : i32
      %ge3A_291 = arith.constant 9216 : i32
      %ge3A_292 = arith.cmpi sge, %add3A_143, %ge3A_291 : i32
      %jit3A_293 = arith.constant 9216 : i32
      %jit3A_294 = arith.constant 0 : i32
      %select_n3A_295 = arith.select %ge3A_292, %jit3A_293, %jit3A_294 : i32
      %add3A_296 = vector.broadcast %select_n3A : i32 to vector<16xi32>
      %add3A_297 = arith.addi %scan3A_287#0, %add3A_296 : vector<16xi32>
      %swap3A = arith.constant 0 : index
      %swap3A_298 = tpu.vector_load %arg9[%swap3A] {strides = array<i32>} : memref<16xi32, #tpu.memory_space<vmem>>, vector<16xi32>,
      tpu.vector_store %arg9[%swap3A], %add3A_297 {strides = array<i32>} : memref<16xi32, #tpu.memory_space<vmem>>, vector<16xi32>,
      %add3A_299 = vector.broadcast %select_n3A_295 : i32 to vector<16xi32>
      %add3A_300 = arith.addi %scan3A_287#1, %add3A_299 : vector<16xi32>
      %swap3A_301 = arith.constant 0 : index
      %swap3A_302 = tpu.vector_load %arg13[%swap3A_301] {strides = array<i32>} : memref<16xi32, #tpu.memory_space<vmem>>, vector<16xi32>,
      tpu.vector_store %arg13[%swap3A_301], %add3A_300 {strides = array<i32>} : memref<16xi32, #tpu.memory_space<vmem>>, vector<16xi32>,
      "tpu.region"() ({
        %run_scoped3A = tpu.sem_alloc : memref<!tpu.dma_semaphore, #tpu.memory_space<semaphore_mem>>
        %dma_start3A_303 = arith.constant 0 : i32
        %dma_start3A_304 = tpu.memref_slice %arg5[%add3A_141, %dma_start3A_303] : memref<18432x16xi32, #tpu.memory_space<hbm>> -> memref<1x16xi32, #tpu.memory_space<hbm>>
        %dma_start3A_305 = tpu.memref_squeeze %dma_start3A_304 : memref<1x16xi32, #tpu.memory_space<hbm>> -> memref<16xi32, #tpu.memory_space<hbm>>
        %dma_start3A_306 = arith.constant 0 : i32
        %dma_start3A_307 = tpu.memref_slice %arg5[%add3A_141, %dma_start3A_306] : memref<18432x16xi32, #tpu.memory_space<hbm>> -> memref<1x16xi32, #tpu.memory_space<hbm>>
        %dma_start3A_308 = tpu.memref_squeeze %dma_start3A_307 : memref<1x16xi32, #tpu.memory_space<hbm>> -> memref<16xi32, #tpu.memory_space<hbm>>
        tpu.enqueue_dma source(%arg9 : memref<16xi32, #tpu.memory_space<vmem>>) target(%dma_start3A_308 : memref<16xi32, #tpu.memory_space<hbm>>) target_semaphore(%run_scoped3A : memref<!tpu.dma_semaphore, #tpu.memory_space<semaphore_mem>>)
        %dma_wait3A_309 = arith.constant 0 : i32
        %dma_wait3A_310 = tpu.memref_slice %arg5[%add3A_141, %dma_wait3A_309] : memref<18432x16xi32, #tpu.memory_space<hbm>> -> memref<1x16xi32, #tpu.memory_space<hbm>>
        %dma_wait3A_311 = tpu.memref_squeeze %dma_wait3A_310 : memref<1x16xi32, #tpu.memory_space<hbm>> -> memref<16xi32, #tpu.memory_space<hbm>>
        %dma_wait3A_312 = arith.constant 0 : i32
        %dma_wait3A_313 = tpu.memref_slice %arg5[%add3A_141, %dma_wait3A_312] : memref<18432x16xi32, #tpu.memory_space<hbm>> -> memref<1x16xi32, #tpu.memory_space<hbm>>
        %dma_wait3A_314 = tpu.memref_squeeze %dma_wait3A_313 : memref<1x16xi32, #tpu.memory_space<hbm>> -> memref<16xi32, #tpu.memory_space<hbm>>
        tpu.wait_dma2 semaphore(%run_scoped3A : memref<!tpu.dma_semaphore, #tpu.memory_space<semaphore_mem>>) src(%arg9 : memref<16xi32, #tpu.memory_space<vmem>>) dst(%dma_wait3A_314 : memref<16xi32, #tpu.memory_space<hbm>>)
        tpu.yield
      }) : () -> ()
      "tpu.region"() ({
        %run_scoped3A = tpu.sem_alloc : memref<!tpu.dma_semaphore, #tpu.memory_space<semaphore_mem>>
        %dma_start3A_303 = arith.constant 0 : i32
        %dma_start3A_304 = tpu.memref_slice %arg5[%add3A_143, %dma_start3A_303] : memref<18432x16xi32, #tpu.memory_space<hbm>> -> memref<1x16xi32, #tpu.memory_space<hbm>>
        %dma_start3A_305 = tpu.memref_squeeze %dma_start3A_304 : memref<1x16xi32, #tpu.memory_space<hbm>> -> memref<16xi32, #tpu.memory_space<hbm>>
        %dma_start3A_306 = arith.constant 0 : i32
        %dma_start3A_307 = tpu.memref_slice %arg5[%add3A_143, %dma_start3A_306] : memref<18432x16xi32, #tpu.memory_space<hbm>> -> memref<1x16xi32, #tpu.memory_space<hbm>>
        %dma_start3A_308 = tpu.memref_squeeze %dma_start3A_307 : memref<1x16xi32, #tpu.memory_space<hbm>> -> memref<16xi32, #tpu.memory_space<hbm>>
        tpu.enqueue_dma source(%arg13 : memref<16xi32, #tpu.memory_space<vmem>>) target(%dma_start3A_308 : memref<16xi32, #tpu.memory_space<hbm>>) target_semaphore(%run_scoped3A : memref<!tpu.dma_semaphore, #tpu.memory_space<semaphore_mem>>)
        %dma_wait3A_309 = arith.constant 0 : i32
        %dma_wait3A_310 = tpu.memref_slice %arg5[%add3A_143, %dma_wait3A_309] : memref<18432x16xi32, #tpu.memory_space<hbm>> -> memref<1x16xi32, #tpu.memory_space<hbm>>
        %dma_wait3A_311 = tpu.memref_squeeze %dma_wait3A_310 : memref<1x16xi32, #tpu.memory_space<hbm>> -> memref<16xi32, #tpu.memory_space<hbm>>
        %dma_wait3A_312 = arith.constant 0 : i32
        %dma_wait3A_313 = tpu.memref_slice %arg5[%add3A_143, %dma_wait3A_312] : memref<18432x16xi32, #tpu.memory_space<hbm>> -> memref<1x16xi32, #tpu.memory_space<hbm>>
        %dma_wait3A_314 = tpu.memref_squeeze %dma_wait3A_313 : memref<1x16xi32, #tpu.memory_space<hbm>> -> memref<16xi32, #tpu.memory_space<hbm>>
        tpu.wait_dma2 semaphore(%run_scoped3A : memref<!tpu.dma_semaphore, #tpu.memory_space<semaphore_mem>>) src(%arg13 : memref<16xi32, #tpu.memory_space<vmem>>) dst(%dma_wait3A_314 : memref<16xi32, #tpu.memory_space<hbm>>)
        tpu.yield
      }) : () -> ()
    }
    %scan3A_77 = arith.constant 288 : i32
    %dma_wait3A = arith.constant 0 : i32
    %dma_wait3A_78 = tpu.memref_slice %arg6[%dma_wait3A] : memref<18432xf32, #tpu.memory_space<vmem>> -> memref<9216xf32, #tpu.memory_space<vmem>>
    %dma_wait3A_79 = arith.constant 0 : i32
    %dma_wait3A_80 = tpu.memref_slice %arg2[%mul3A_2, %dma_wait3A_79] : memref<18432x9216xf32, #tpu.memory_space<hbm>> -> memref<1x9216xf32, #tpu.memory_space<hbm>>
    %dma_wait3A_81 = tpu.memref_squeeze %dma_wait3A_80 : memref<1x9216xf32, #tpu.memory_space<hbm>> -> memref<9216xf32, #tpu.memory_space<hbm>>
    %dma_wait3A_82 = arith.constant 0 : i32
    %dma_wait3A_83 = tpu.memref_slice %arg6[%dma_wait3A_82] : memref<18432xf32, #tpu.memory_space<vmem>> -> memref<9216xf32, #tpu.memory_space<vmem>>
    %dma_wait3A_84 = arith.constant 0 : i32
    %dma_wait3A_85 = tpu.memref_slice %arg2[%mul3A_2, %dma_wait3A_84] : memref<18432x9216xf32, #tpu.memory_space<hbm>> -> memref<1x9216xf32, #tpu.memory_space<hbm>>
    %dma_wait3A_86 = tpu.memref_squeeze %dma_wait3A_85 : memref<1x9216xf32, #tpu.memory_space<hbm>> -> memref<9216xf32, #tpu.memory_space<hbm>>
    tpu.wait_dma2 semaphore(%arg14 : memref<!tpu.dma_semaphore, #tpu.memory_space<semaphore_mem>>) src(%dma_wait3A_86 : memref<9216xf32, #tpu.memory_space<hbm>>) dst(%dma_wait3A_83 : memref<9216xf32, #tpu.memory_space<vmem>>)
    %dma_wait3A_87 = arith.constant 0 : i32
    %dma_wait3A_88 = tpu.memref_slice %arg7[%dma_wait3A_87] : memref<2304xf32, #tpu.memory_space<vmem>> -> memref<1152xf32, #tpu.memory_space<vmem>>
    %dma_wait3A_89 = arith.constant 0 : i32
    %dma_wait3A_90 = tpu.memref_slice %arg3[%mul3A_2, %dma_wait3A_89] : memref<18432x1152xf32, #tpu.memory_space<hbm>> -> memref<1x1152xf32, #tpu.memory_space<hbm>>
    %dma_wait3A_91 = tpu.memref_squeeze %dma_wait3A_90 : memref<1x1152xf32, #tpu.memory_space<hbm>> -> memref<1152xf32, #tpu.memory_space<hbm>>
    %dma_wait3A_92 = arith.constant 0 : i32
    %dma_wait3A_93 = tpu.memref_slice %arg7[%dma_wait3A_92] : memref<2304xf32, #tpu.memory_space<vmem>> -> memref<1152xf32, #tpu.memory_space<vmem>>
    %dma_wait3A_94 = arith.constant 0 : i32
    %dma_wait3A_95 = tpu.memref_slice %arg3[%mul3A_2, %dma_wait3A_94] : memref<18432x1152xf32, #tpu.memory_space<hbm>> -> memref<1x1152xf32, #tpu.memory_space<hbm>>
    %dma_wait3A_96 = tpu.memref_squeeze %dma_wait3A_95 : memref<1x1152xf32, #tpu.memory_space<hbm>> -> memref<1152xf32, #tpu.memory_space<hbm>>
    tpu.wait_dma2 semaphore(%arg15 : memref<!tpu.dma_semaphore, #tpu.memory_space<semaphore_mem>>) src(%dma_wait3A_96 : memref<1152xf32, #tpu.memory_space<hbm>>) dst(%dma_wait3A_93 : memref<1152xf32, #tpu.memory_space<vmem>>)
    %dma_wait3A_97 = arith.constant 0 : i32
    %dma_wait3A_98 = tpu.memref_slice %arg8[%dma_wait3A_97] : memref<256xf32, #tpu.memory_space<vmem>> -> memref<128xf32, #tpu.memory_space<vmem>>
    %dma_wait3A_99 = arith.constant 0 : i32
    %dma_wait3A_100 = tpu.memref_slice %arg4[%mul3A_2, %dma_wait3A_99] : memref<18432x128xf32, #tpu.memory_space<hbm>> -> memref<1x128xf32, #tpu.memory_space<hbm>>
    %dma_wait3A_101 = tpu.memref_squeeze %dma_wait3A_100 : memref<1x128xf32, #tpu.memory_space<hbm>> -> memref<128xf32, #tpu.memory_space<hbm>>
    %dma_wait3A_102 = arith.constant 0 : i32
    %dma_wait3A_103 = tpu.memref_slice %arg8[%dma_wait3A_102] : memref<256xf32, #tpu.memory_space<vmem>> -> memref<128xf32, #tpu.memory_space<vmem>>
    %dma_wait3A_104 = arith.constant 0 : i32
    %dma_wait3A_105 = tpu.memref_slice %arg4[%mul3A_2, %dma_wait3A_104] : memref<18432x128xf32, #tpu.memory_space<hbm>> -> memref<1x128xf32, #tpu.memory_space<hbm>>
    %dma_wait3A_106 = tpu.memref_squeeze %dma_wait3A_105 : memref<1x128xf32, #tpu.memory_space<hbm>> -> memref<128xf32, #tpu.memory_space<hbm>>
    tpu.wait_dma2 semaphore(%arg16 : memref<!tpu.dma_semaphore, #tpu.memory_space<semaphore_mem>>) src(%dma_wait3A_106 : memref<128xf32, #tpu.memory_space<hbm>>) dst(%dma_wait3A_103 : memref<128xf32, #tpu.memory_space<vmem>>)
    %dma_wait3A_107 = arith.constant 0 : i32
    %dma_wait3A_108 = tpu.memref_slice %arg10[%dma_wait3A_107] : memref<18432xf32, #tpu.memory_space<vmem>> -> memref<9216xf32, #tpu.memory_space<vmem>>
    %dma_wait3A_109 = arith.constant 0 : i32
    %dma_wait3A_110 = tpu.memref_slice %arg2[%mul3A_2, %dma_wait3A_109] : memref<18432x9216xf32, #tpu.memory_space<hbm>> -> memref<1x9216xf32, #tpu.memory_space<hbm>>
    %dma_wait3A_111 = tpu.memref_squeeze %dma_wait3A_110 : memref<1x9216xf32, #tpu.memory_space<hbm>> -> memref<9216xf32, #tpu.memory_space<hbm>>
    %dma_wait3A_112 = arith.constant 0 : i32
    %dma_wait3A_113 = tpu.memref_slice %arg10[%dma_wait3A_112] : memref<18432xf32, #tpu.memory_space<vmem>> -> memref<9216xf32, #tpu.memory_space<vmem>>
    %dma_wait3A_114 = arith.constant 0 : i32
    %dma_wait3A_115 = tpu.memref_slice %arg2[%mul3A_2, %dma_wait3A_114] : memref<18432x9216xf32, #tpu.memory_space<hbm>> -> memref<1x9216xf32, #tpu.memory_space<hbm>>
    %dma_wait3A_116 = tpu.memref_squeeze %dma_wait3A_115 : memref<1x9216xf32, #tpu.memory_space<hbm>> -> memref<9216xf32, #tpu.memory_space<hbm>>
    tpu.wait_dma2 semaphore(%arg17 : memref<!tpu.dma_semaphore, #tpu.memory_space<semaphore_mem>>) src(%dma_wait3A_116 : memref<9216xf32, #tpu.memory_space<hbm>>) dst(%dma_wait3A_113 : memref<9216xf32, #tpu.memory_space<vmem>>)
    %dma_wait3A_117 = arith.constant 0 : i32
    %dma_wait3A_118 = tpu.memref_slice %arg11[%dma_wait3A_117] : memref<2304xf32, #tpu.memory_space<vmem>> -> memref<1152xf32, #tpu.memory_space<vmem>>
    %dma_wait3A_119 = arith.constant 0 : i32
    %dma_wait3A_120 = tpu.memref_slice %arg3[%mul3A_2, %dma_wait3A_119] : memref<18432x1152xf32, #tpu.memory_space<hbm>> -> memref<1x1152xf32, #tpu.memory_space<hbm>>
    %dma_wait3A_121 = tpu.memref_squeeze %dma_wait3A_120 : memref<1x1152xf32, #tpu.memory_space<hbm>> -> memref<1152xf32, #tpu.memory_space<hbm>>
    %dma_wait3A_122 = arith.constant 0 : i32
    %dma_wait3A_123 = tpu.memref_slice %arg11[%dma_wait3A_122] : memref<2304xf32, #tpu.memory_space<vmem>> -> memref<1152xf32, #tpu.memory_space<vmem>>
    %dma_wait3A_124 = arith.constant 0 : i32
    %dma_wait3A_125 = tpu.memref_slice %arg3[%mul3A_2, %dma_wait3A_124] : memref<18432x1152xf32, #tpu.memory_space<hbm>> -> memref<1x1152xf32, #tpu.memory_space<hbm>>
    %dma_wait3A_126 = tpu.memref_squeeze %dma_wait3A_125 : memref<1x1152xf32, #tpu.memory_space<hbm>> -> memref<1152xf32, #tpu.memory_space<hbm>>
    tpu.wait_dma2 semaphore(%arg18 : memref<!tpu.dma_semaphore, #tpu.memory_space<semaphore_mem>>) src(%dma_wait3A_126 : memref<1152xf32, #tpu.memory_space<hbm>>) dst(%dma_wait3A_123 : memref<1152xf32, #tpu.memory_space<vmem>>)
    %dma_wait3A_127 = arith.constant 0 : i32
    %dma_wait3A_128 = tpu.memref_slice %arg12[%dma_wait3A_127] : memref<256xf32, #tpu.memory_space<vmem>> -> memref<128xf32, #tpu.memory_space<vmem>>
    %dma_wait3A_129 = arith.constant 0 : i32
    %dma_wait3A_130 = tpu.memref_slice %arg4[%mul3A_2, %dma_wait3A_129] : memref<18432x128xf32, #tpu.memory_space<hbm>> -> memref<1x128xf32, #tpu.memory_space<hbm>>
    %dma_wait3A_131 = tpu.memref_squeeze %dma_wait3A_130 : memref<1x128xf32, #tpu.memory_space<hbm>> -> memref<128xf32, #tpu.memory_space<hbm>>
    %dma_wait3A_132 = arith.constant 0 : i32
    %dma_wait3A_133 = tpu.memref_slice %arg12[%dma_wait3A_132] : memref<256xf32, #tpu.memory_space<vmem>> -> memref<128xf32, #tpu.memory_space<vmem>>
    %dma_wait3A_134 = arith.constant 0 : i32
    %dma_wait3A_135 = tpu.memref_slice %arg4[%mul3A_2, %dma_wait3A_134] : memref<18432x128xf32, #tpu.memory_space<hbm>> -> memref<1x128xf32, #tpu.memory_space<hbm>>
    %dma_wait3A_136 = tpu.memref_squeeze %dma_wait3A_135 : memref<1x128xf32, #tpu.memory_space<hbm>> -> memref<128xf32, #tpu.memory_space<hbm>>
    tpu.wait_dma2 semaphore(%arg19 : memref<!tpu.dma_semaphore, #tpu.memory_space<semaphore_mem>>) src(%dma_wait3A_136 : memref<128xf32, #tpu.memory_space<hbm>>) dst(%dma_wait3A_133 : memref<128xf32, #tpu.memory_space<vmem>>)
    return
  }
}

module attributes {stable_mosaic.version = 14 : i64} {
  func.func @_dist_body(%arg0: i32, %arg1: i32, %arg2: memref<1x256x16xf32, #tpu.memory_space<vmem>>, %arg3: memref<1x16x9216xf32, #tpu.memory_space<vmem>>, %arg4: memref<1x256x9216xf32, #tpu.memory_space<vmem>>, %arg5: memref<1x256x1152xf32, #tpu.memory_space<vmem>>, %arg6: memref<1x256x128xf32, #tpu.memory_space<vmem>>, %arg7: memref<1x256x16xi32, #tpu.memory_space<vmem>>) attributes {dimension_semantics = [#tpu.dimension_semantics<arbitrary>, #tpu.dimension_semantics<arbitrary>], iteration_bounds = array<i64: 2, 36>, scalar_prefetch = 0 : i64, scratch_operands = 0 : i64, tpu.core_type = #tpu.core_type<tc>, window_params = [{transform_indices = @transform_0, window_bounds = array<i64: 1, 256, 16>}, {transform_indices = @transform_1, window_bounds = array<i64: 1, 16, 9216>}, {transform_indices = @transform_2, window_bounds = array<i64: 1, 256, 9216>}, {transform_indices = @transform_3, window_bounds = array<i64: 1, 256, 1152>}, {transform_indices = @transform_4, window_bounds = array<i64: 1, 256, 128>}, {transform_indices = @transform_5, window_bounds = array<i64: 1, 256, 16>}]} {
    %get3A = arith.constant 0 : index
    %get3A_0 = arith.constant 0 : index
    %get3A_1 = arith.constant 0 : index
    %get3A_2 = vector.load %arg2[%get3A, %get3A_0, %get3A_1] : memref<1x256x16xf32, #tpu.memory_space<vmem>>, vector<1x256x16xf32>
    %get3A_3 = vector.shape_cast %get3A_2 : vector<1x256x16xf32> to vector<256x16xf32>
    %get3A_4 = arith.constant 0 : index
    %get3A_5 = arith.constant 0 : index
    %get3A_6 = arith.constant 0 : index
    %get3A_7 = vector.load %arg3[%get3A_4, %get3A_5, %get3A_6] : memref<1x16x9216xf32, #tpu.memory_space<vmem>>, vector<1x16x9216xf32>
    %get3A_8 = vector.shape_cast %get3A_7 : vector<1x16x9216xf32> to vector<16x9216xf32>
    %slice3A = vector.extract_strided_slice %get3A_3 {offsets = [0, 0], sizes = [256, 1], strides = [1, 1]} : vector<256x16xf32> to vector<256x1xf32>
    %slice3A_9 = vector.extract_strided_slice %get3A_3 {offsets = [0, 0], sizes = [256, 1], strides = [1, 1]} : vector<256x16xf32> to vector<256x1xf32>
    %mul3A = arith.mulf %slice3A, %slice3A_9 : vector<256x1xf32>
    %slice3A_10 = vector.extract_strided_slice %get3A_3 {offsets = [0, 1], sizes = [256, 1], strides = [1, 1]} : vector<256x16xf32> to vector<256x1xf32>
    %slice3A_11 = vector.extract_strided_slice %get3A_3 {offsets = [0, 1], sizes = [256, 1], strides = [1, 1]} : vector<256x16xf32> to vector<256x1xf32>
    %mul3A_12 = arith.mulf %slice3A_10, %slice3A_11 : vector<256x1xf32>
    %add3A = arith.addf %mul3A, %mul3A_12 : vector<256x1xf32>
    %slice3A_13 = vector.extract_strided_slice %get3A_3 {offsets = [0, 2], sizes = [256, 1], strides = [1, 1]} : vector<256x16xf32> to vector<256x1xf32>
    %slice3A_14 = vector.extract_strided_slice %get3A_3 {offsets = [0, 2], sizes = [256, 1], strides = [1, 1]} : vector<256x16xf32> to vector<256x1xf32>
    %mul3A_15 = arith.mulf %slice3A_13, %slice3A_14 : vector<256x1xf32>
    %add3A_16 = arith.addf %add3A, %mul3A_15 : vector<256x1xf32>
    %slice3A_17 = vector.extract_strided_slice %get3A_3 {offsets = [0, 3], sizes = [256, 1], strides = [1, 1]} : vector<256x16xf32> to vector<256x1xf32>
    %slice3A_18 = vector.extract_strided_slice %get3A_3 {offsets = [0, 3], sizes = [256, 1], strides = [1, 1]} : vector<256x16xf32> to vector<256x1xf32>
    %mul3A_19 = arith.mulf %slice3A_17, %slice3A_18 : vector<256x1xf32>
    %add3A_20 = arith.addf %add3A_16, %mul3A_19 : vector<256x1xf32>
    %slice3A_21 = vector.extract_strided_slice %get3A_3 {offsets = [0, 4], sizes = [256, 1], strides = [1, 1]} : vector<256x16xf32> to vector<256x1xf32>
    %slice3A_22 = vector.extract_strided_slice %get3A_3 {offsets = [0, 4], sizes = [256, 1], strides = [1, 1]} : vector<256x16xf32> to vector<256x1xf32>
    %mul3A_23 = arith.mulf %slice3A_21, %slice3A_22 : vector<256x1xf32>
    %add3A_24 = arith.addf %add3A_20, %mul3A_23 : vector<256x1xf32>
    %slice3A_25 = vector.extract_strided_slice %get3A_3 {offsets = [0, 5], sizes = [256, 1], strides = [1, 1]} : vector<256x16xf32> to vector<256x1xf32>
    %slice3A_26 = vector.extract_strided_slice %get3A_3 {offsets = [0, 5], sizes = [256, 1], strides = [1, 1]} : vector<256x16xf32> to vector<256x1xf32>
    %mul3A_27 = arith.mulf %slice3A_25, %slice3A_26 : vector<256x1xf32>
    %add3A_28 = arith.addf %add3A_24, %mul3A_27 : vector<256x1xf32>
    %slice3A_29 = vector.extract_strided_slice %get3A_3 {offsets = [0, 6], sizes = [256, 1], strides = [1, 1]} : vector<256x16xf32> to vector<256x1xf32>
    %slice3A_30 = vector.extract_strided_slice %get3A_3 {offsets = [0, 6], sizes = [256, 1], strides = [1, 1]} : vector<256x16xf32> to vector<256x1xf32>
    %mul3A_31 = arith.mulf %slice3A_29, %slice3A_30 : vector<256x1xf32>
    %add3A_32 = arith.addf %add3A_28, %mul3A_31 : vector<256x1xf32>
    %slice3A_33 = vector.extract_strided_slice %get3A_3 {offsets = [0, 7], sizes = [256, 1], strides = [1, 1]} : vector<256x16xf32> to vector<256x1xf32>
    %slice3A_34 = vector.extract_strided_slice %get3A_3 {offsets = [0, 7], sizes = [256, 1], strides = [1, 1]} : vector<256x16xf32> to vector<256x1xf32>
    %mul3A_35 = arith.mulf %slice3A_33, %slice3A_34 : vector<256x1xf32>
    %add3A_36 = arith.addf %add3A_32, %mul3A_35 : vector<256x1xf32>
    %slice3A_37 = vector.extract_strided_slice %get3A_3 {offsets = [0, 8], sizes = [256, 1], strides = [1, 1]} : vector<256x16xf32> to vector<256x1xf32>
    %slice3A_38 = vector.extract_strided_slice %get3A_3 {offsets = [0, 8], sizes = [256, 1], strides = [1, 1]} : vector<256x16xf32> to vector<256x1xf32>
    %mul3A_39 = arith.mulf %slice3A_37, %slice3A_38 : vector<256x1xf32>
    %add3A_40 = arith.addf %add3A_36, %mul3A_39 : vector<256x1xf32>
    %slice3A_41 = vector.extract_strided_slice %get3A_3 {offsets = [0, 9], sizes = [256, 1], strides = [1, 1]} : vector<256x16xf32> to vector<256x1xf32>
    %slice3A_42 = vector.extract_strided_slice %get3A_3 {offsets = [0, 9], sizes = [256, 1], strides = [1, 1]} : vector<256x16xf32> to vector<256x1xf32>
    %mul3A_43 = arith.mulf %slice3A_41, %slice3A_42 : vector<256x1xf32>
    %add3A_44 = arith.addf %add3A_40, %mul3A_43 : vector<256x1xf32>
    %slice3A_45 = vector.extract_strided_slice %get3A_3 {offsets = [0, 10], sizes = [256, 1], strides = [1, 1]} : vector<256x16xf32> to vector<256x1xf32>
    %slice3A_46 = vector.extract_strided_slice %get3A_3 {offsets = [0, 10], sizes = [256, 1], strides = [1, 1]} : vector<256x16xf32> to vector<256x1xf32>
    %mul3A_47 = arith.mulf %slice3A_45, %slice3A_46 : vector<256x1xf32>
    %add3A_48 = arith.addf %add3A_44, %mul3A_47 : vector<256x1xf32>
    %slice3A_49 = vector.extract_strided_slice %get3A_3 {offsets = [0, 11], sizes = [256, 1], strides = [1, 1]} : vector<256x16xf32> to vector<256x1xf32>
    %slice3A_50 = vector.extract_strided_slice %get3A_3 {offsets = [0, 11], sizes = [256, 1], strides = [1, 1]} : vector<256x16xf32> to vector<256x1xf32>
    %mul3A_51 = arith.mulf %slice3A_49, %slice3A_50 : vector<256x1xf32>
    %add3A_52 = arith.addf %add3A_48, %mul3A_51 : vector<256x1xf32>
    %slice3A_53 = vector.extract_strided_slice %get3A_3 {offsets = [0, 12], sizes = [256, 1], strides = [1, 1]} : vector<256x16xf32> to vector<256x1xf32>
    %slice3A_54 = vector.extract_strided_slice %get3A_3 {offsets = [0, 12], sizes = [256, 1], strides = [1, 1]} : vector<256x16xf32> to vector<256x1xf32>
    %mul3A_55 = arith.mulf %slice3A_53, %slice3A_54 : vector<256x1xf32>
    %add3A_56 = arith.addf %add3A_52, %mul3A_55 : vector<256x1xf32>
    %slice3A_57 = vector.extract_strided_slice %get3A_3 {offsets = [0, 13], sizes = [256, 1], strides = [1, 1]} : vector<256x16xf32> to vector<256x1xf32>
    %slice3A_58 = vector.extract_strided_slice %get3A_3 {offsets = [0, 13], sizes = [256, 1], strides = [1, 1]} : vector<256x16xf32> to vector<256x1xf32>
    %mul3A_59 = arith.mulf %slice3A_57, %slice3A_58 : vector<256x1xf32>
    %add3A_60 = arith.addf %add3A_56, %mul3A_59 : vector<256x1xf32>
    %slice3A_61 = vector.extract_strided_slice %get3A_3 {offsets = [0, 14], sizes = [256, 1], strides = [1, 1]} : vector<256x16xf32> to vector<256x1xf32>
    %slice3A_62 = vector.extract_strided_slice %get3A_3 {offsets = [0, 14], sizes = [256, 1], strides = [1, 1]} : vector<256x16xf32> to vector<256x1xf32>
    %mul3A_63 = arith.mulf %slice3A_61, %slice3A_62 : vector<256x1xf32>
    %add3A_64 = arith.addf %add3A_60, %mul3A_63 : vector<256x1xf32>
    %slice3A_65 = vector.extract_strided_slice %get3A_3 {offsets = [0, 15], sizes = [256, 1], strides = [1, 1]} : vector<256x16xf32> to vector<256x1xf32>
    %slice3A_66 = vector.extract_strided_slice %get3A_3 {offsets = [0, 15], sizes = [256, 1], strides = [1, 1]} : vector<256x16xf32> to vector<256x1xf32>
    %mul3A_67 = arith.mulf %slice3A_65, %slice3A_66 : vector<256x1xf32>
    %add3A_68 = arith.addf %add3A_64, %mul3A_67 : vector<256x1xf32>
    %sqrt3A = math.sqrt %add3A_68 : vector<256x1xf32>
    %max3A = arith.constant 9.99999996E-13 : f32
    %max3A_69 = vector.broadcast %max3A : f32 to vector<256x1xf32>
    %max3A_70 = arith.maximumf %sqrt3A, %max3A_69 : vector<256x1xf32>
    %div3A = vector.broadcast %max3A_70 : vector<256x1xf32> to vector<256x16xf32>
    %div3A_71 = arith.divf %get3A_3, %div3A : vector<256x16xf32>
    %slice3A_72 = vector.extract_strided_slice %get3A_8 {offsets = [0, 0], sizes = [1, 9216], strides = [1, 1]} : vector<16x9216xf32> to vector<1x9216xf32>
    %slice3A_73 = vector.extract_strided_slice %get3A_8 {offsets = [0, 0], sizes = [1, 9216], strides = [1, 1]} : vector<16x9216xf32> to vector<1x9216xf32>
    %mul3A_74 = arith.mulf %slice3A_72, %slice3A_73 : vector<1x9216xf32>
    %slice3A_75 = vector.extract_strided_slice %get3A_8 {offsets = [1, 0], sizes = [1, 9216], strides = [1, 1]} : vector<16x9216xf32> to vector<1x9216xf32>
    %slice3A_76 = vector.extract_strided_slice %get3A_8 {offsets = [1, 0], sizes = [1, 9216], strides = [1, 1]} : vector<16x9216xf32> to vector<1x9216xf32>
    %mul3A_77 = arith.mulf %slice3A_75, %slice3A_76 : vector<1x9216xf32>
    %add3A_78 = arith.addf %mul3A_74, %mul3A_77 : vector<1x9216xf32>
    %slice3A_79 = vector.extract_strided_slice %get3A_8 {offsets = [2, 0], sizes = [1, 9216], strides = [1, 1]} : vector<16x9216xf32> to vector<1x9216xf32>
    %slice3A_80 = vector.extract_strided_slice %get3A_8 {offsets = [2, 0], sizes = [1, 9216], strides = [1, 1]} : vector<16x9216xf32> to vector<1x9216xf32>
    %mul3A_81 = arith.mulf %slice3A_79, %slice3A_80 : vector<1x9216xf32>
    %add3A_82 = arith.addf %add3A_78, %mul3A_81 : vector<1x9216xf32>
    %slice3A_83 = vector.extract_strided_slice %get3A_8 {offsets = [3, 0], sizes = [1, 9216], strides = [1, 1]} : vector<16x9216xf32> to vector<1x9216xf32>
    %slice3A_84 = vector.extract_strided_slice %get3A_8 {offsets = [3, 0], sizes = [1, 9216], strides = [1, 1]} : vector<16x9216xf32> to vector<1x9216xf32>
    %mul3A_85 = arith.mulf %slice3A_83, %slice3A_84 : vector<1x9216xf32>
    %add3A_86 = arith.addf %add3A_82, %mul3A_85 : vector<1x9216xf32>
    %slice3A_87 = vector.extract_strided_slice %get3A_8 {offsets = [4, 0], sizes = [1, 9216], strides = [1, 1]} : vector<16x9216xf32> to vector<1x9216xf32>
    %slice3A_88 = vector.extract_strided_slice %get3A_8 {offsets = [4, 0], sizes = [1, 9216], strides = [1, 1]} : vector<16x9216xf32> to vector<1x9216xf32>
    %mul3A_89 = arith.mulf %slice3A_87, %slice3A_88 : vector<1x9216xf32>
    %add3A_90 = arith.addf %add3A_86, %mul3A_89 : vector<1x9216xf32>
    %slice3A_91 = vector.extract_strided_slice %get3A_8 {offsets = [5, 0], sizes = [1, 9216], strides = [1, 1]} : vector<16x9216xf32> to vector<1x9216xf32>
    %slice3A_92 = vector.extract_strided_slice %get3A_8 {offsets = [5, 0], sizes = [1, 9216], strides = [1, 1]} : vector<16x9216xf32> to vector<1x9216xf32>
    %mul3A_93 = arith.mulf %slice3A_91, %slice3A_92 : vector<1x9216xf32>
    %add3A_94 = arith.addf %add3A_90, %mul3A_93 : vector<1x9216xf32>
    %slice3A_95 = vector.extract_strided_slice %get3A_8 {offsets = [6, 0], sizes = [1, 9216], strides = [1, 1]} : vector<16x9216xf32> to vector<1x9216xf32>
    %slice3A_96 = vector.extract_strided_slice %get3A_8 {offsets = [6, 0], sizes = [1, 9216], strides = [1, 1]} : vector<16x9216xf32> to vector<1x9216xf32>
    %mul3A_97 = arith.mulf %slice3A_95, %slice3A_96 : vector<1x9216xf32>
    %add3A_98 = arith.addf %add3A_94, %mul3A_97 : vector<1x9216xf32>
    %slice3A_99 = vector.extract_strided_slice %get3A_8 {offsets = [7, 0], sizes = [1, 9216], strides = [1, 1]} : vector<16x9216xf32> to vector<1x9216xf32>
    %slice3A_100 = vector.extract_strided_slice %get3A_8 {offsets = [7, 0], sizes = [1, 9216], strides = [1, 1]} : vector<16x9216xf32> to vector<1x9216xf32>
    %mul3A_101 = arith.mulf %slice3A_99, %slice3A_100 : vector<1x9216xf32>
    %add3A_102 = arith.addf %add3A_98, %mul3A_101 : vector<1x9216xf32>
    %slice3A_103 = vector.extract_strided_slice %get3A_8 {offsets = [8, 0], sizes = [1, 9216], strides = [1, 1]} : vector<16x9216xf32> to vector<1x9216xf32>
    %slice3A_104 = vector.extract_strided_slice %get3A_8 {offsets = [8, 0], sizes = [1, 9216], strides = [1, 1]} : vector<16x9216xf32> to vector<1x9216xf32>
    %mul3A_105 = arith.mulf %slice3A_103, %slice3A_104 : vector<1x9216xf32>
    %add3A_106 = arith.addf %add3A_102, %mul3A_105 : vector<1x9216xf32>
    %slice3A_107 = vector.extract_strided_slice %get3A_8 {offsets = [9, 0], sizes = [1, 9216], strides = [1, 1]} : vector<16x9216xf32> to vector<1x9216xf32>
    %slice3A_108 = vector.extract_strided_slice %get3A_8 {offsets = [9, 0], sizes = [1, 9216], strides = [1, 1]} : vector<16x9216xf32> to vector<1x9216xf32>
    %mul3A_109 = arith.mulf %slice3A_107, %slice3A_108 : vector<1x9216xf32>
    %add3A_110 = arith.addf %add3A_106, %mul3A_109 : vector<1x9216xf32>
    %slice3A_111 = vector.extract_strided_slice %get3A_8 {offsets = [10, 0], sizes = [1, 9216], strides = [1, 1]} : vector<16x9216xf32> to vector<1x9216xf32>
    %slice3A_112 = vector.extract_strided_slice %get3A_8 {offsets = [10, 0], sizes = [1, 9216], strides = [1, 1]} : vector<16x9216xf32> to vector<1x9216xf32>
    %mul3A_113 = arith.mulf %slice3A_111, %slice3A_112 : vector<1x9216xf32>
    %add3A_114 = arith.addf %add3A_110, %mul3A_113 : vector<1x9216xf32>
    %slice3A_115 = vector.extract_strided_slice %get3A_8 {offsets = [11, 0], sizes = [1, 9216], strides = [1, 1]} : vector<16x9216xf32> to vector<1x9216xf32>
    %slice3A_116 = vector.extract_strided_slice %get3A_8 {offsets = [11, 0], sizes = [1, 9216], strides = [1, 1]} : vector<16x9216xf32> to vector<1x9216xf32>
    %mul3A_117 = arith.mulf %slice3A_115, %slice3A_116 : vector<1x9216xf32>
    %add3A_118 = arith.addf %add3A_114, %mul3A_117 : vector<1x9216xf32>
    %slice3A_119 = vector.extract_strided_slice %get3A_8 {offsets = [12, 0], sizes = [1, 9216], strides = [1, 1]} : vector<16x9216xf32> to vector<1x9216xf32>
    %slice3A_120 = vector.extract_strided_slice %get3A_8 {offsets = [12, 0], sizes = [1, 9216], strides = [1, 1]} : vector<16x9216xf32> to vector<1x9216xf32>
    %mul3A_121 = arith.mulf %slice3A_119, %slice3A_120 : vector<1x9216xf32>
    %add3A_122 = arith.addf %add3A_118, %mul3A_121 : vector<1x9216xf32>
    %slice3A_123 = vector.extract_strided_slice %get3A_8 {offsets = [13, 0], sizes = [1, 9216], strides = [1, 1]} : vector<16x9216xf32> to vector<1x9216xf32>
    %slice3A_124 = vector.extract_strided_slice %get3A_8 {offsets = [13, 0], sizes = [1, 9216], strides = [1, 1]} : vector<16x9216xf32> to vector<1x9216xf32>
    %mul3A_125 = arith.mulf %slice3A_123, %slice3A_124 : vector<1x9216xf32>
    %add3A_126 = arith.addf %add3A_122, %mul3A_125 : vector<1x9216xf32>
    %slice3A_127 = vector.extract_strided_slice %get3A_8 {offsets = [14, 0], sizes = [1, 9216], strides = [1, 1]} : vector<16x9216xf32> to vector<1x9216xf32>
    %slice3A_128 = vector.extract_strided_slice %get3A_8 {offsets = [14, 0], sizes = [1, 9216], strides = [1, 1]} : vector<16x9216xf32> to vector<1x9216xf32>
    %mul3A_129 = arith.mulf %slice3A_127, %slice3A_128 : vector<1x9216xf32>
    %add3A_130 = arith.addf %add3A_126, %mul3A_129 : vector<1x9216xf32>
    %slice3A_131 = vector.extract_strided_slice %get3A_8 {offsets = [15, 0], sizes = [1, 9216], strides = [1, 1]} : vector<16x9216xf32> to vector<1x9216xf32>
    %slice3A_132 = vector.extract_strided_slice %get3A_8 {offsets = [15, 0], sizes = [1, 9216], strides = [1, 1]} : vector<16x9216xf32> to vector<1x9216xf32>
    %mul3A_133 = arith.mulf %slice3A_131, %slice3A_132 : vector<1x9216xf32>
    %add3A_134 = arith.addf %add3A_130, %mul3A_133 : vector<1x9216xf32>
    %sqrt3A_135 = math.sqrt %add3A_134 : vector<1x9216xf32>
    %max3A_136 = arith.constant 9.99999996E-13 : f32
    %max3A_137 = vector.broadcast %max3A_136 : f32 to vector<1x9216xf32>
    %max3A_138 = arith.maximumf %sqrt3A_135, %max3A_137 : vector<1x9216xf32>
    %div3A_139 = vector.broadcast %max3A_138 : vector<1x9216xf32> to vector<16x9216xf32>
    %div3A_140 = arith.divf %get3A_8, %div3A_139 : vector<16x9216xf32>
    %dot_general3A = arith.constant dense<0.000000e+00> : vector<256x9216xf32>
    %dot_general3A_141 = tpu.matmul %div3A_71, %div3A_140, %dot_general3A {dimension_numbers = #tpu.dot_dimension_numbers<[1], [0], [0], [1], [0, 0, 1, 1], [], []>, transpose_lhs_hint = false} : vector<256x16xf32>, vector<16x9216xf32>, vector<256x9216xf32> -> vector<256x9216xf32>
    %slice3A_142 = vector.extract_strided_slice %div3A_71 {offsets = [0, 0], sizes = [256, 1], strides = [1, 1]} : vector<256x16xf32> to vector<256x1xf32>
    %slice3A_143 = vector.extract_strided_slice %div3A_71 {offsets = [0, 0], sizes = [256, 1], strides = [1, 1]} : vector<256x16xf32> to vector<256x1xf32>
    %mul3A_144 = arith.mulf %slice3A_142, %slice3A_143 : vector<256x1xf32>
    %slice3A_145 = vector.extract_strided_slice %div3A_71 {offsets = [0, 1], sizes = [256, 1], strides = [1, 1]} : vector<256x16xf32> to vector<256x1xf32>
    %slice3A_146 = vector.extract_strided_slice %div3A_71 {offsets = [0, 1], sizes = [256, 1], strides = [1, 1]} : vector<256x16xf32> to vector<256x1xf32>
    %mul3A_147 = arith.mulf %slice3A_145, %slice3A_146 : vector<256x1xf32>
    %add3A_148 = arith.addf %mul3A_144, %mul3A_147 : vector<256x1xf32>
    %slice3A_149 = vector.extract_strided_slice %div3A_71 {offsets = [0, 2], sizes = [256, 1], strides = [1, 1]} : vector<256x16xf32> to vector<256x1xf32>
    %slice3A_150 = vector.extract_strided_slice %div3A_71 {offsets = [0, 2], sizes = [256, 1], strides = [1, 1]} : vector<256x16xf32> to vector<256x1xf32>
    %mul3A_151 = arith.mulf %slice3A_149, %slice3A_150 : vector<256x1xf32>
    %add3A_152 = arith.addf %add3A_148, %mul3A_151 : vector<256x1xf32>
    %slice3A_153 = vector.extract_strided_slice %div3A_71 {offsets = [0, 3], sizes = [256, 1], strides = [1, 1]} : vector<256x16xf32> to vector<256x1xf32>
    %slice3A_154 = vector.extract_strided_slice %div3A_71 {offsets = [0, 3], sizes = [256, 1], strides = [1, 1]} : vector<256x16xf32> to vector<256x1xf32>
    %mul3A_155 = arith.mulf %slice3A_153, %slice3A_154 : vector<256x1xf32>
    %add3A_156 = arith.addf %add3A_152, %mul3A_155 : vector<256x1xf32>
    %slice3A_157 = vector.extract_strided_slice %div3A_71 {offsets = [0, 4], sizes = [256, 1], strides = [1, 1]} : vector<256x16xf32> to vector<256x1xf32>
    %slice3A_158 = vector.extract_strided_slice %div3A_71 {offsets = [0, 4], sizes = [256, 1], strides = [1, 1]} : vector<256x16xf32> to vector<256x1xf32>
    %mul3A_159 = arith.mulf %slice3A_157, %slice3A_158 : vector<256x1xf32>
    %add3A_160 = arith.addf %add3A_156, %mul3A_159 : vector<256x1xf32>
    %slice3A_161 = vector.extract_strided_slice %div3A_71 {offsets = [0, 5], sizes = [256, 1], strides = [1, 1]} : vector<256x16xf32> to vector<256x1xf32>
    %slice3A_162 = vector.extract_strided_slice %div3A_71 {offsets = [0, 5], sizes = [256, 1], strides = [1, 1]} : vector<256x16xf32> to vector<256x1xf32>
    %mul3A_163 = arith.mulf %slice3A_161, %slice3A_162 : vector<256x1xf32>
    %add3A_164 = arith.addf %add3A_160, %mul3A_163 : vector<256x1xf32>
    %slice3A_165 = vector.extract_strided_slice %div3A_71 {offsets = [0, 6], sizes = [256, 1], strides = [1, 1]} : vector<256x16xf32> to vector<256x1xf32>
    %slice3A_166 = vector.extract_strided_slice %div3A_71 {offsets = [0, 6], sizes = [256, 1], strides = [1, 1]} : vector<256x16xf32> to vector<256x1xf32>
    %mul3A_167 = arith.mulf %slice3A_165, %slice3A_166 : vector<256x1xf32>
    %add3A_168 = arith.addf %add3A_164, %mul3A_167 : vector<256x1xf32>
    %slice3A_169 = vector.extract_strided_slice %div3A_71 {offsets = [0, 7], sizes = [256, 1], strides = [1, 1]} : vector<256x16xf32> to vector<256x1xf32>
    %slice3A_170 = vector.extract_strided_slice %div3A_71 {offsets = [0, 7], sizes = [256, 1], strides = [1, 1]} : vector<256x16xf32> to vector<256x1xf32>
    %mul3A_171 = arith.mulf %slice3A_169, %slice3A_170 : vector<256x1xf32>
    %add3A_172 = arith.addf %add3A_168, %mul3A_171 : vector<256x1xf32>
    %slice3A_173 = vector.extract_strided_slice %div3A_71 {offsets = [0, 8], sizes = [256, 1], strides = [1, 1]} : vector<256x16xf32> to vector<256x1xf32>
    %slice3A_174 = vector.extract_strided_slice %div3A_71 {offsets = [0, 8], sizes = [256, 1], strides = [1, 1]} : vector<256x16xf32> to vector<256x1xf32>
    %mul3A_175 = arith.mulf %slice3A_173, %slice3A_174 : vector<256x1xf32>
    %add3A_176 = arith.addf %add3A_172, %mul3A_175 : vector<256x1xf32>
    %slice3A_177 = vector.extract_strided_slice %div3A_71 {offsets = [0, 9], sizes = [256, 1], strides = [1, 1]} : vector<256x16xf32> to vector<256x1xf32>
    %slice3A_178 = vector.extract_strided_slice %div3A_71 {offsets = [0, 9], sizes = [256, 1], strides = [1, 1]} : vector<256x16xf32> to vector<256x1xf32>
    %mul3A_179 = arith.mulf %slice3A_177, %slice3A_178 : vector<256x1xf32>
    %add3A_180 = arith.addf %add3A_176, %mul3A_179 : vector<256x1xf32>
    %slice3A_181 = vector.extract_strided_slice %div3A_71 {offsets = [0, 10], sizes = [256, 1], strides = [1, 1]} : vector<256x16xf32> to vector<256x1xf32>
    %slice3A_182 = vector.extract_strided_slice %div3A_71 {offsets = [0, 10], sizes = [256, 1], strides = [1, 1]} : vector<256x16xf32> to vector<256x1xf32>
    %mul3A_183 = arith.mulf %slice3A_181, %slice3A_182 : vector<256x1xf32>
    %add3A_184 = arith.addf %add3A_180, %mul3A_183 : vector<256x1xf32>
    %slice3A_185 = vector.extract_strided_slice %div3A_71 {offsets = [0, 11], sizes = [256, 1], strides = [1, 1]} : vector<256x16xf32> to vector<256x1xf32>
    %slice3A_186 = vector.extract_strided_slice %div3A_71 {offsets = [0, 11], sizes = [256, 1], strides = [1, 1]} : vector<256x16xf32> to vector<256x1xf32>
    %mul3A_187 = arith.mulf %slice3A_185, %slice3A_186 : vector<256x1xf32>
    %add3A_188 = arith.addf %add3A_184, %mul3A_187 : vector<256x1xf32>
    %slice3A_189 = vector.extract_strided_slice %div3A_71 {offsets = [0, 12], sizes = [256, 1], strides = [1, 1]} : vector<256x16xf32> to vector<256x1xf32>
    %slice3A_190 = vector.extract_strided_slice %div3A_71 {offsets = [0, 12], sizes = [256, 1], strides = [1, 1]} : vector<256x16xf32> to vector<256x1xf32>
    %mul3A_191 = arith.mulf %slice3A_189, %slice3A_190 : vector<256x1xf32>
    %add3A_192 = arith.addf %add3A_188, %mul3A_191 : vector<256x1xf32>
    %slice3A_193 = vector.extract_strided_slice %div3A_71 {offsets = [0, 13], sizes = [256, 1], strides = [1, 1]} : vector<256x16xf32> to vector<256x1xf32>
    %slice3A_194 = vector.extract_strided_slice %div3A_71 {offsets = [0, 13], sizes = [256, 1], strides = [1, 1]} : vector<256x16xf32> to vector<256x1xf32>
    %mul3A_195 = arith.mulf %slice3A_193, %slice3A_194 : vector<256x1xf32>
    %add3A_196 = arith.addf %add3A_192, %mul3A_195 : vector<256x1xf32>
    %slice3A_197 = vector.extract_strided_slice %div3A_71 {offsets = [0, 14], sizes = [256, 1], strides = [1, 1]} : vector<256x16xf32> to vector<256x1xf32>
    %slice3A_198 = vector.extract_strided_slice %div3A_71 {offsets = [0, 14], sizes = [256, 1], strides = [1, 1]} : vector<256x16xf32> to vector<256x1xf32>
    %mul3A_199 = arith.mulf %slice3A_197, %slice3A_198 : vector<256x1xf32>
    %add3A_200 = arith.addf %add3A_196, %mul3A_199 : vector<256x1xf32>
    %slice3A_201 = vector.extract_strided_slice %div3A_71 {offsets = [0, 15], sizes = [256, 1], strides = [1, 1]} : vector<256x16xf32> to vector<256x1xf32>
    %slice3A_202 = vector.extract_strided_slice %div3A_71 {offsets = [0, 15], sizes = [256, 1], strides = [1, 1]} : vector<256x16xf32> to vector<256x1xf32>
    %mul3A_203 = arith.mulf %slice3A_201, %slice3A_202 : vector<256x1xf32>
    %add3A_204 = arith.addf %add3A_200, %mul3A_203 : vector<256x1xf32>
    %slice3A_205 = vector.extract_strided_slice %div3A_140 {offsets = [0, 0], sizes = [1, 9216], strides = [1, 1]} : vector<16x9216xf32> to vector<1x9216xf32>
    %slice3A_206 = vector.extract_strided_slice %div3A_140 {offsets = [0, 0], sizes = [1, 9216], strides = [1, 1]} : vector<16x9216xf32> to vector<1x9216xf32>
    %mul3A_207 = arith.mulf %slice3A_205, %slice3A_206 : vector<1x9216xf32>
    %slice3A_208 = vector.extract_strided_slice %div3A_140 {offsets = [1, 0], sizes = [1, 9216], strides = [1, 1]} : vector<16x9216xf32> to vector<1x9216xf32>
    %slice3A_209 = vector.extract_strided_slice %div3A_140 {offsets = [1, 0], sizes = [1, 9216], strides = [1, 1]} : vector<16x9216xf32> to vector<1x9216xf32>
    %mul3A_210 = arith.mulf %slice3A_208, %slice3A_209 : vector<1x9216xf32>
    %add3A_211 = arith.addf %mul3A_207, %mul3A_210 : vector<1x9216xf32>
    %slice3A_212 = vector.extract_strided_slice %div3A_140 {offsets = [2, 0], sizes = [1, 9216], strides = [1, 1]} : vector<16x9216xf32> to vector<1x9216xf32>
    %slice3A_213 = vector.extract_strided_slice %div3A_140 {offsets = [2, 0], sizes = [1, 9216], strides = [1, 1]} : vector<16x9216xf32> to vector<1x9216xf32>
    %mul3A_214 = arith.mulf %slice3A_212, %slice3A_213 : vector<1x9216xf32>
    %add3A_215 = arith.addf %add3A_211, %mul3A_214 : vector<1x9216xf32>
    %slice3A_216 = vector.extract_strided_slice %div3A_140 {offsets = [3, 0], sizes = [1, 9216], strides = [1, 1]} : vector<16x9216xf32> to vector<1x9216xf32>
    %slice3A_217 = vector.extract_strided_slice %div3A_140 {offsets = [3, 0], sizes = [1, 9216], strides = [1, 1]} : vector<16x9216xf32> to vector<1x9216xf32>
    %mul3A_218 = arith.mulf %slice3A_216, %slice3A_217 : vector<1x9216xf32>
    %add3A_219 = arith.addf %add3A_215, %mul3A_218 : vector<1x9216xf32>
    %slice3A_220 = vector.extract_strided_slice %div3A_140 {offsets = [4, 0], sizes = [1, 9216], strides = [1, 1]} : vector<16x9216xf32> to vector<1x9216xf32>
    %slice3A_221 = vector.extract_strided_slice %div3A_140 {offsets = [4, 0], sizes = [1, 9216], strides = [1, 1]} : vector<16x9216xf32> to vector<1x9216xf32>
    %mul3A_222 = arith.mulf %slice3A_220, %slice3A_221 : vector<1x9216xf32>
    %add3A_223 = arith.addf %add3A_219, %mul3A_222 : vector<1x9216xf32>
    %slice3A_224 = vector.extract_strided_slice %div3A_140 {offsets = [5, 0], sizes = [1, 9216], strides = [1, 1]} : vector<16x9216xf32> to vector<1x9216xf32>
    %slice3A_225 = vector.extract_strided_slice %div3A_140 {offsets = [5, 0], sizes = [1, 9216], strides = [1, 1]} : vector<16x9216xf32> to vector<1x9216xf32>
    %mul3A_226 = arith.mulf %slice3A_224, %slice3A_225 : vector<1x9216xf32>
    %add3A_227 = arith.addf %add3A_223, %mul3A_226 : vector<1x9216xf32>
    %slice3A_228 = vector.extract_strided_slice %div3A_140 {offsets = [6, 0], sizes = [1, 9216], strides = [1, 1]} : vector<16x9216xf32> to vector<1x9216xf32>
    %slice3A_229 = vector.extract_strided_slice %div3A_140 {offsets = [6, 0], sizes = [1, 9216], strides = [1, 1]} : vector<16x9216xf32> to vector<1x9216xf32>
    %mul3A_230 = arith.mulf %slice3A_228, %slice3A_229 : vector<1x9216xf32>
    %add3A_231 = arith.addf %add3A_227, %mul3A_230 : vector<1x9216xf32>
    %slice3A_232 = vector.extract_strided_slice %div3A_140 {offsets = [7, 0], sizes = [1, 9216], strides = [1, 1]} : vector<16x9216xf32> to vector<1x9216xf32>
    %slice3A_233 = vector.extract_strided_slice %div3A_140 {offsets = [7, 0], sizes = [1, 9216], strides = [1, 1]} : vector<16x9216xf32> to vector<1x9216xf32>
    %mul3A_234 = arith.mulf %slice3A_232, %slice3A_233 : vector<1x9216xf32>
    %add3A_235 = arith.addf %add3A_231, %mul3A_234 : vector<1x9216xf32>
    %slice3A_236 = vector.extract_strided_slice %div3A_140 {offsets = [8, 0], sizes = [1, 9216], strides = [1, 1]} : vector<16x9216xf32> to vector<1x9216xf32>
    %slice3A_237 = vector.extract_strided_slice %div3A_140 {offsets = [8, 0], sizes = [1, 9216], strides = [1, 1]} : vector<16x9216xf32> to vector<1x9216xf32>
    %mul3A_238 = arith.mulf %slice3A_236, %slice3A_237 : vector<1x9216xf32>
    %add3A_239 = arith.addf %add3A_235, %mul3A_238 : vector<1x9216xf32>
    %slice3A_240 = vector.extract_strided_slice %div3A_140 {offsets = [9, 0], sizes = [1, 9216], strides = [1, 1]} : vector<16x9216xf32> to vector<1x9216xf32>
    %slice3A_241 = vector.extract_strided_slice %div3A_140 {offsets = [9, 0], sizes = [1, 9216], strides = [1, 1]} : vector<16x9216xf32> to vector<1x9216xf32>
    %mul3A_242 = arith.mulf %slice3A_240, %slice3A_241 : vector<1x9216xf32>
    %add3A_243 = arith.addf %add3A_239, %mul3A_242 : vector<1x9216xf32>
    %slice3A_244 = vector.extract_strided_slice %div3A_140 {offsets = [10, 0], sizes = [1, 9216], strides = [1, 1]} : vector<16x9216xf32> to vector<1x9216xf32>
    %slice3A_245 = vector.extract_strided_slice %div3A_140 {offsets = [10, 0], sizes = [1, 9216], strides = [1, 1]} : vector<16x9216xf32> to vector<1x9216xf32>
    %mul3A_246 = arith.mulf %slice3A_244, %slice3A_245 : vector<1x9216xf32>
    %add3A_247 = arith.addf %add3A_243, %mul3A_246 : vector<1x9216xf32>
    %slice3A_248 = vector.extract_strided_slice %div3A_140 {offsets = [11, 0], sizes = [1, 9216], strides = [1, 1]} : vector<16x9216xf32> to vector<1x9216xf32>
    %slice3A_249 = vector.extract_strided_slice %div3A_140 {offsets = [11, 0], sizes = [1, 9216], strides = [1, 1]} : vector<16x9216xf32> to vector<1x9216xf32>
    %mul3A_250 = arith.mulf %slice3A_248, %slice3A_249 : vector<1x9216xf32>
    %add3A_251 = arith.addf %add3A_247, %mul3A_250 : vector<1x9216xf32>
    %slice3A_252 = vector.extract_strided_slice %div3A_140 {offsets = [12, 0], sizes = [1, 9216], strides = [1, 1]} : vector<16x9216xf32> to vector<1x9216xf32>
    %slice3A_253 = vector.extract_strided_slice %div3A_140 {offsets = [12, 0], sizes = [1, 9216], strides = [1, 1]} : vector<16x9216xf32> to vector<1x9216xf32>
    %mul3A_254 = arith.mulf %slice3A_252, %slice3A_253 : vector<1x9216xf32>
    %add3A_255 = arith.addf %add3A_251, %mul3A_254 : vector<1x9216xf32>
    %slice3A_256 = vector.extract_strided_slice %div3A_140 {offsets = [13, 0], sizes = [1, 9216], strides = [1, 1]} : vector<16x9216xf32> to vector<1x9216xf32>
    %slice3A_257 = vector.extract_strided_slice %div3A_140 {offsets = [13, 0], sizes = [1, 9216], strides = [1, 1]} : vector<16x9216xf32> to vector<1x9216xf32>
    %mul3A_258 = arith.mulf %slice3A_256, %slice3A_257 : vector<1x9216xf32>
    %add3A_259 = arith.addf %add3A_255, %mul3A_258 : vector<1x9216xf32>
    %slice3A_260 = vector.extract_strided_slice %div3A_140 {offsets = [14, 0], sizes = [1, 9216], strides = [1, 1]} : vector<16x9216xf32> to vector<1x9216xf32>
    %slice3A_261 = vector.extract_strided_slice %div3A_140 {offsets = [14, 0], sizes = [1, 9216], strides = [1, 1]} : vector<16x9216xf32> to vector<1x9216xf32>
    %mul3A_262 = arith.mulf %slice3A_260, %slice3A_261 : vector<1x9216xf32>
    %add3A_263 = arith.addf %add3A_259, %mul3A_262 : vector<1x9216xf32>
    %slice3A_264 = vector.extract_strided_slice %div3A_140 {offsets = [15, 0], sizes = [1, 9216], strides = [1, 1]} : vector<16x9216xf32> to vector<1x9216xf32>
    %slice3A_265 = vector.extract_strided_slice %div3A_140 {offsets = [15, 0], sizes = [1, 9216], strides = [1, 1]} : vector<16x9216xf32> to vector<1x9216xf32>
    %mul3A_266 = arith.mulf %slice3A_264, %slice3A_265 : vector<1x9216xf32>
    %add3A_267 = arith.addf %add3A_263, %mul3A_266 : vector<1x9216xf32>
    %mul3A_268 = arith.constant -2.000000e+00 : f32
    %mul3A_269 = vector.broadcast %mul3A_268 : f32 to vector<256x9216xf32>
    %mul3A_270 = arith.mulf %mul3A_269, %dot_general3A_141 : vector<256x9216xf32>
    %add3A_271 = vector.broadcast %add3A_204 : vector<256x1xf32> to vector<256x9216xf32>
    %add3A_272 = arith.addf %add3A_271, %mul3A_270 : vector<256x9216xf32>
    %add3A_273 = vector.broadcast %add3A_267 : vector<1x9216xf32> to vector<256x9216xf32>
    %add3A_274 = arith.addf %add3A_272, %add3A_273 : vector<256x9216xf32>
    %neg3A = arith.constant 0.000000e+00 : f32
    %neg3A_275 = vector.broadcast %neg3A : f32 to vector<256x9216xf32>
    %neg3A_276 = arith.subf %neg3A_275, %add3A_274 : vector<256x9216xf32>
    %swap3A = arith.constant 0 : index
    %swap3A_277 = arith.constant 0 : index
    %swap3A_278 = arith.constant 0 : index
    %swap3A_279 = vector.load %arg4[%swap3A, %swap3A_277, %swap3A_278] : memref<1x256x9216xf32, #tpu.memory_space<vmem>>, vector<1x256x9216xf32>
    %swap3A_280 = vector.shape_cast %swap3A_279 : vector<1x256x9216xf32> to vector<256x9216xf32>
    %swap3A_281 = vector.shape_cast %neg3A_276 : vector<256x9216xf32> to vector<1x256x9216xf32>
    tpu.vector_store %arg4[%swap3A, %swap3A_277, %swap3A_278], %swap3A_281 {strides = array<i32>} : memref<1x256x9216xf32, #tpu.memory_space<vmem>>, vector<1x256x9216xf32>,
    %slice3A_282 = vector.extract_strided_slice %neg3A_276 {offsets = [0, 0], sizes = [256, 1152], strides = [1, 1]} : vector<256x9216xf32> to vector<256x1152xf32>
    %slice3A_283 = vector.extract_strided_slice %neg3A_276 {offsets = [0, 1152], sizes = [256, 1152], strides = [1, 1]} : vector<256x9216xf32> to vector<256x1152xf32>
    %max3A_284 = arith.maximumf %slice3A_282, %slice3A_283 : vector<256x1152xf32>
    %slice3A_285 = vector.extract_strided_slice %neg3A_276 {offsets = [0, 2304], sizes = [256, 1152], strides = [1, 1]} : vector<256x9216xf32> to vector<256x1152xf32>
    %max3A_286 = arith.maximumf %max3A_284, %slice3A_285 : vector<256x1152xf32>
    %slice3A_287 = vector.extract_strided_slice %neg3A_276 {offsets = [0, 3456], sizes = [256, 1152], strides = [1, 1]} : vector<256x9216xf32> to vector<256x1152xf32>
    %max3A_288 = arith.maximumf %max3A_286, %slice3A_287 : vector<256x1152xf32>
    %slice3A_289 = vector.extract_strided_slice %neg3A_276 {offsets = [0, 4608], sizes = [256, 1152], strides = [1, 1]} : vector<256x9216xf32> to vector<256x1152xf32>
    %max3A_290 = arith.maximumf %max3A_288, %slice3A_289 : vector<256x1152xf32>
    %slice3A_291 = vector.extract_strided_slice %neg3A_276 {offsets = [0, 5760], sizes = [256, 1152], strides = [1, 1]} : vector<256x9216xf32> to vector<256x1152xf32>
    %max3A_292 = arith.maximumf %max3A_290, %slice3A_291 : vector<256x1152xf32>
    %slice3A_293 = vector.extract_strided_slice %neg3A_276 {offsets = [0, 6912], sizes = [256, 1152], strides = [1, 1]} : vector<256x9216xf32> to vector<256x1152xf32>
    %max3A_294 = arith.maximumf %max3A_292, %slice3A_293 : vector<256x1152xf32>
    %slice3A_295 = vector.extract_strided_slice %neg3A_276 {offsets = [0, 8064], sizes = [256, 1152], strides = [1, 1]} : vector<256x9216xf32> to vector<256x1152xf32>
    %max3A_296 = arith.maximumf %max3A_294, %slice3A_295 : vector<256x1152xf32>
    %swap3A_297 = arith.constant 0 : index
    %swap3A_298 = arith.constant 0 : index
    %swap3A_299 = arith.constant 0 : index
    %swap3A_300 = vector.load %arg5[%swap3A_297, %swap3A_298, %swap3A_299] : memref<1x256x1152xf32, #tpu.memory_space<vmem>>, vector<1x256x1152xf32>
    %swap3A_301 = vector.shape_cast %swap3A_300 : vector<1x256x1152xf32> to vector<256x1152xf32>
    %swap3A_302 = vector.shape_cast %max3A_296 : vector<256x1152xf32> to vector<1x256x1152xf32>
    tpu.vector_store %arg5[%swap3A_297, %swap3A_298, %swap3A_299], %swap3A_302 {strides = array<i32>} : memref<1x256x1152xf32, #tpu.memory_space<vmem>>, vector<1x256x1152xf32>,
    %slice3A_303 = vector.extract_strided_slice %max3A_296 {offsets = [0, 0], sizes = [256, 128], strides = [1, 1]} : vector<256x1152xf32> to vector<256x128xf32>
    %slice3A_304 = vector.extract_strided_slice %max3A_296 {offsets = [0, 128], sizes = [256, 128], strides = [1, 1]} : vector<256x1152xf32> to vector<256x128xf32>
    %max3A_305 = arith.maximumf %slice3A_303, %slice3A_304 : vector<256x128xf32>
    %slice3A_306 = vector.extract_strided_slice %max3A_296 {offsets = [0, 256], sizes = [256, 128], strides = [1, 1]} : vector<256x1152xf32> to vector<256x128xf32>
    %max3A_307 = arith.maximumf %max3A_305, %slice3A_306 : vector<256x128xf32>
    %slice3A_308 = vector.extract_strided_slice %max3A_296 {offsets = [0, 384], sizes = [256, 128], strides = [1, 1]} : vector<256x1152xf32> to vector<256x128xf32>
    %max3A_309 = arith.maximumf %max3A_307, %slice3A_308 : vector<256x128xf32>
    %slice3A_310 = vector.extract_strided_slice %max3A_296 {offsets = [0, 512], sizes = [256, 128], strides = [1, 1]} : vector<256x1152xf32> to vector<256x128xf32>
    %max3A_311 = arith.maximumf %max3A_309, %slice3A_310 : vector<256x128xf32>
    %slice3A_312 = vector.extract_strided_slice %max3A_296 {offsets = [0, 640], sizes = [256, 128], strides = [1, 1]} : vector<256x1152xf32> to vector<256x128xf32>
    %max3A_313 = arith.maximumf %max3A_311, %slice3A_312 : vector<256x128xf32>
    %slice3A_314 = vector.extract_strided_slice %max3A_296 {offsets = [0, 768], sizes = [256, 128], strides = [1, 1]} : vector<256x1152xf32> to vector<256x128xf32>
    %max3A_315 = arith.maximumf %max3A_313, %slice3A_314 : vector<256x128xf32>
    %slice3A_316 = vector.extract_strided_slice %max3A_296 {offsets = [0, 896], sizes = [256, 128], strides = [1, 1]} : vector<256x1152xf32> to vector<256x128xf32>
    %max3A_317 = arith.maximumf %max3A_315, %slice3A_316 : vector<256x128xf32>
    %slice3A_318 = vector.extract_strided_slice %max3A_296 {offsets = [0, 1024], sizes = [256, 128], strides = [1, 1]} : vector<256x1152xf32> to vector<256x128xf32>
    %max3A_319 = arith.maximumf %max3A_317, %slice3A_318 : vector<256x128xf32>
    %swap3A_320 = arith.constant 0 : index
    %swap3A_321 = arith.constant 0 : index
    %swap3A_322 = arith.constant 0 : index
    %swap3A_323 = vector.load %arg6[%swap3A_320, %swap3A_321, %swap3A_322] : memref<1x256x128xf32, #tpu.memory_space<vmem>>, vector<1x256x128xf32>
    %swap3A_324 = vector.shape_cast %swap3A_323 : vector<1x256x128xf32> to vector<256x128xf32>
    %swap3A_325 = vector.shape_cast %max3A_319 : vector<256x128xf32> to vector<1x256x128xf32>
    tpu.vector_store %arg6[%swap3A_320, %swap3A_321, %swap3A_322], %swap3A_325 {strides = array<i32>} : memref<1x256x128xf32, #tpu.memory_space<vmem>>, vector<1x256x128xf32>,
    %mul3A_326 = arith.constant 9216 : i32
    %mul3A_327 = arith.muli %arg0, %mul3A_326 : i32
    %mul3A_328 = arith.constant 256 : i32
    %mul3A_329 = arith.muli %arg1, %mul3A_328 : i32
    %add3A_330 = arith.addi %mul3A_327, %mul3A_329 : i32
    %iota3A = tpu.iota {dimensions = array<i32: 0>} : vector<256x16xi32>
    %add3A_331 = vector.broadcast %add3A_330 : i32 to vector<256x16xi32>
    %add3A_332 = arith.addi %iota3A, %add3A_331 : vector<256x16xi32>
    %swap3A_333 = arith.constant 0 : index
    %swap3A_334 = arith.constant 0 : index
    %swap3A_335 = arith.constant 0 : index
    %swap3A_336 = vector.load %arg7[%swap3A_333, %swap3A_334, %swap3A_335] : memref<1x256x16xi32, #tpu.memory_space<vmem>>, vector<1x256x16xi32>
    %swap3A_337 = vector.shape_cast %swap3A_336 : vector<1x256x16xi32> to vector<256x16xi32>
    %swap3A_338 = vector.shape_cast %add3A_332 : vector<256x16xi32> to vector<1x256x16xi32>
    tpu.vector_store %arg7[%swap3A_333, %swap3A_334, %swap3A_335], %swap3A_338 {strides = array<i32>} : memref<1x256x16xi32, #tpu.memory_space<vmem>>, vector<1x256x16xi32>,
    return
  }
  func.func @transform_0(%arg0: i32, %arg1: i32) -> (i32, i32, i32) {
    %c0_i32 = arith.constant 0 : i32
    %c0_i32_0 = arith.constant 0 : i32
    return %arg0, %arg1, %c0_i32 : i32, i32, i32
  }
  func.func @transform_1(%arg0: i32, %arg1: i32) -> (i32, i32, i32) {
    %c0_i32 = arith.constant 0 : i32
    %c0_i32_0 = arith.constant 0 : i32
    %c0_i32_1 = arith.constant 0 : i32
    return %arg0, %c0_i32, %c0_i32_0 : i32, i32, i32
  }
  func.func @transform_2(%arg0: i32, %arg1: i32) -> (i32, i32, i32) {
    %c0_i32 = arith.constant 0 : i32
    %c0_i32_0 = arith.constant 0 : i32
    return %arg0, %arg1, %c0_i32 : i32, i32, i32
  }
  func.func @transform_3(%arg0: i32, %arg1: i32) -> (i32, i32, i32) {
    %c0_i32 = arith.constant 0 : i32
    %c0_i32_0 = arith.constant 0 : i32
    return %arg0, %arg1, %c0_i32 : i32, i32, i32
  }
  func.func @transform_4(%arg0: i32, %arg1: i32) -> (i32, i32, i32) {
    %c0_i32 = arith.constant 0 : i32
    %c0_i32_0 = arith.constant 0 : i32
    return %arg0, %arg1, %c0_i32 : i32, i32, i32
  }
  func.func @transform_5(%arg0: i32, %arg1: i32) -> (i32, i32, i32) {
    %c0_i32 = arith.constant 0 : i32
    %c0_i32_0 = arith.constant 0 : i32
    return %arg0, %arg1, %c0_i32 : i32, i32, i32
  }
}

</mosaic_0001>

<sc_bundles>
// kernel: kernel.4.cloned.1.call-start
scs
__scs_entry_jumppad:
0x0: {  	(pc) =	sbr.rel $0x88, $3  }
0x1: {  	(tag) =	ssettag $0x0;
	lr =	simm.s32 $0x1  }
0x2: {  	[smem:$0x3FA0] =	sst lr;
	_ =	strace $0xD0000000  }
0x3: {  	_ = 	snop  }
0x4: {  	_ = 	snop  }
0x5: {  	_ = 	snop  }
0x6: {  	_ = 	snop  }
0x7: {  	_ = 	snop  }
__scs_overlays_trampoline_lowered:
0x8: {  	[smem:$0x3FAF] =	sst s0  }
0x9: {  	[smem:$0x3FB0] =	sst s1  }
0xa: {  	[smem:$0x3FB1] =	sst s2  }
0xb: {  	[smem:$0x3FB2] =	sst s3  }
0xc: {  	[smem:$0x3FB3] =	sst s4  }
0xd: {  	[smem:$0x3FB4] =	sst s5  }
0xe: {  	[smem:$0x3FB5] =	sst s6  }
0xf: {  	[smem:$0x3FB6] =	sst s7  }
0x10: {  	[smem:$0x3FB7] =	sst s8  }
0x11: {  	[smem:$0x3FB8] =	sst s9;
	s0 =	simm.s32 @!p0 $0x0  }
0x12: {  	s1 =	sld [smem:$0x3F9E];
	s0 =	simm.s32 @p0 $0x1  }
0x13: {  	[smem:$0x3FB9] =	sst s0;
	s0 =	simm.s32 @!p1 $0x0  }
0x14: {  	s2 =	sld [smem:$0x3F9D];
	s0 =	simm.s32 @p1 $0x1  }
0x15: {  	[smem:$0x3FBA] =	sst s0;
	s0 =	simm.s32 @!p2 $0x0  }
0x16: {  	s3 =	sld [smem:$0x3FDB];
	s0 =	simm.s32 @p2 $0x1  }
0x17: {  	s4 =	simm.s32 $0x1BF5;
	[smem:$0x3FBC] =	sst s0  }
0x18: {  	s0 =	sld [smem:$0x3F9F];
	_ =	swait.ge [sflag:s4], $0x0  }
0x19: {  	s7 =	sld [smem:$0x3FA0]  }
0x1a: {  	s8 =	sadd.s32 $0xFFFFE003, lr  }
0x1b: {  	s9 =	sadd.s32 $0xFFFFFEF7, lr;
	s5 =	simm.s32 $0xFFFFFFFF;
	p2 =	slt.u32 s8, $0xFFFFF086  }
0x1c: {  	p1 =	slt.u32 s9, $0xF7A;
	s5 =	simm.s32 @!p2 $0x0  }
0x1d: {  	s5 =	simm.s32 @p1 $0x1;
	p0 =	seq.s32 s7, s2  }
0x1e: {  	s7 =	smul.u32 @!p0 $0xF7A, s2;
	p2 =	seq.s32 @!p0 s5, $0x0  }
0x1f: {  	s9 =	smul.u32 $0xF7A, s1;
	s8 =	simm.s32 @!p0 $0x1BF5;
	p2 =	por !p2, p0  }
0x20: {  	[sflag:s8] =	ssyncset.s32 @!p0 $0xFFFFF086;
	s6 =	sadd.s32 @!p0 s3, s7;
	s7 =	simm.s32 @!p0 $0x108  }
0x21: {  	s3 =	sadd.s32 s3, s9;
	s6 =	sadd.s32 @!p0 $0x88, s6;
	s7 =	simm.s32 @p2 $0x1082  }
0x22: {  	[simem:s7], [sflag:s8] =	dma.local @!p0 [hbm:s6], $0xF7A  }
0x23: {  	s9 =	sor.u32 $0xD0000000, s2;
	s6 =	simm.s32 $0x108;
	_ =	swait.ge @!p0 [sflag:s8], $0x0  }
0x24: {  	s3 =	sadd.s32 $0x88, s3;
	s6 =	simm.s32 @!p1 $0x1082;
	[sflag:s4] =	ssyncset.s32 $0xFFFFF086  }
0x25: {  	[simem:s6], [sflag:s4] =	dma.local [hbm:s3], $0xF7A  }
0x26: {  	[smem:$0x3FA0] =	sst s1;
	(tag) =	ssettag s2;
	_ =	strace s9  }
0x27: {  	s1 =	sld [smem:$0x3FB0]  }
0x28: {  	s2 =	sld [smem:$0x3FB1]  }
0x29: {  	s4 =	sld [smem:$0x3FB3]  }
0x2a: {  	p0 =	seq.s32 s5, $0x0;
	s5 =	sld [smem:$0x3FB4]  }
0x2b: {  	s6 =	sld [smem:$0x3FB5]  }
0x2c: {  	s7 =	sld [smem:$0x3FB6]  }
0x2d: {  	s3 =	simm.s32 $0x108;
	s8 =	sld [smem:$0x3FB7]  }
0x2e: {  	s3 =	simm.s32 @!p0 $0x1082;
	s9 =	sld [smem:$0x3FB8]  }
0x2f: {  	lr =	sadd.s32 s0, s3;
	s0 =	sld [smem:$0x3FAF]  }
0x30: {  	s3 =	sld [smem:$0x3FB2]  }
0x31: {  	[smem:$0x3FBB] =	sst s10  }
0x32: {  	s10 =	sld [smem:$0x3FB9];
	_ =	sdelay $0x3  }
0x33: {  	p0 =	seq.s32 s10, $0x1;
	s10 =	sld [smem:$0x3FBB];
	_ =	sdelay $0x3  }
0x34: {  	[smem:$0x3FBB] =	sst s10  }
0x35: {  	s10 =	sld [smem:$0x3FBA];
	_ =	sdelay $0x3  }
0x36: {  	p1 =	seq.s32 s10, $0x1;
	s10 =	sld [smem:$0x3FBB];
	_ =	sdelay $0x3  }
0x37: {  	[smem:$0x3FBB] =	sst s10  }
0x38: {  	s10 =	sld [smem:$0x3FBC]  }
0x39: {  	_ = 	snop;
	(pc) =	sbr.ind lr, $3  }
0x3a: {  	_ = 	snop  }
0x3b: {  	_ = 	snop  }
0x3c: {  	p2 =	seq.s32 s10, $0x1;
	s10 =	sld [smem:$0x3FBB]  }
0x3d: {  	_ =	shalt  }
0x3e: {  	_ =	shalt  }
0x3f: {  	_ =	shalt  }
0x40: {  	_ =	shalt  }
0x41: {  	_ =	shalt  }
0x42: {  	_ =	shalt  }
0x43: {  	_ =	shalt  }
0x44: {  	_ =	shalt  }
0x45: {  	_ =	shalt  }
0x46: {  	_ =	shalt  }
0x47: {  	_ =	shalt  }
0x48: {  	_ =	shalt  }
0x49: {  	_ =	shalt  }
0x4a: {  	_ =	shalt  }
0x4b: {  	_ =	shalt  }
0x4c: {  	_ =	shalt  }
0x4d: {  	_ =	shalt  }
0x4e: {  	_ =	shalt  }
0x4f: {  	_ =	shalt  }
0x50: {  	_ =	shalt  }
0x51: {  	_ =	shalt  }
0x52: {  	_ =	shalt  }
0x53: {  	_ =	shalt  }
0x54: {  	_ =	shalt  }
0x55: {  	_ =	shalt  }
0x56: {  	_ =	shalt  }
0x57: {  	_ =	shalt  }
0x58: {  	_ =	shalt  }
0x59: {  	_ =	shalt  }
0x5a: {  	_ =	shalt  }
0x5b: {  	_ =	shalt  }
0x5c: {  	_ =	shalt  }
0x5d: {  	_ =	shalt  }
0x5e: {  	_ =	shalt  }
0x5f: {  	_ =	shalt  }
0x60: {  	_ =	shalt  }
0x61: {  	_ =	shalt  }
0x62: {  	_ =	shalt  }
0x63: {  	_ =	shalt  }
0x64: {  	_ =	shalt  }
0x65: {  	_ =	shalt  }
0x66: {  	_ =	shalt  }
0x67: {  	_ =	shalt  }
0x68: {  	_ =	shalt  }
0x69: {  	_ =	shalt  }
0x6a: {  	_ =	shalt  }
0x6b: {  	_ =	shalt  }
0x6c: {  	_ =	shalt  }
0x6d: {  	_ =	shalt  }
0x6e: {  	_ =	shalt  }
0x6f: {  	_ =	shalt  }
0x70: {  	_ =	shalt  }
0x71: {  	_ =	shalt  }
0x72: {  	_ =	shalt  }
0x73: {  	_ =	shalt  }
0x74: {  	_ =	shalt  }
0x75: {  	_ =	shalt  }
0x76: {  	_ =	shalt  }
0x77: {  	_ =	shalt  }
0x78: {  	_ =	shalt  }
0x79: {  	_ =	shalt  }
0x7a: {  	_ =	shalt  }
0x7b: {  	_ =	shalt  }
0x7c: {  	_ =	shalt  }
0x7d: {  	_ =	shalt  }
0x7e: {  	_ =	shalt  }
0x7f: {  	_ =	shalt  }
0x80: {  	_ =	shalt  }
0x81: {  	_ =	shalt  }
0x82: {  	_ =	shalt  }
0x83: {  	_ =	shalt  }
0x84: {  	_ =	shalt  }
0x85: {  	_ =	shalt  }
0x86: {  	_ =	shalt  }
0x87: {  	_ =	shalt  }
.Lfunc_end0:
.L_simem_size_0:
called_computation_lowered:
.L_overlay_start_0:
0x88: {  	s2 =	sld [smem:$0x3FD9]  }
0x89: {  	s3 =	sld [smem:$0x3FFE];
	_ =	sdelay $0x1  }
0x8a: {  	s1 =	srdreg.scid  }
0x8b: {  	s0 =	sand.u32 $0x1, s1  }
0x8c: {  	s16 =	sshll.u32 s0, $0xA;
	s2 =	sadd.s32 s3, s2  }
0x8d: {  	s2 =	sadd.s32 s2, s16  }
0x8e: {  	[smem:$0x3FC7] =	sst s2  }
0x8f: {  	_ = 	snop  }
0x90: {  	(tm) =	ssettm $0x1  }
0x91: {  	s17 =	sld [smem:$0x3FFB];
	_ =	sdelay $0x3  }
0x92: {  	_ =	strace s17  }
0x93: {  	s2 =	sld [smem:$0x3FFC];
	_ =	sdelay $0x3  }
0x94: {  	_ =	strace s2  }
0x95: {  	s2 =	sld [smem:$0x3FFD];
	_ =	sdelay $0x3  }
0x96: {  	_ =	strace s2  }
0x97: {  	_ =	strace $0x8FFFFFFF  }
0x98: {  	s18 =	sld [smem:$0x3FDB];
	_ =	sdelay $0x1  }
0x99: {  	s19 =	simm.s32 $_scs_section_size  }
0x9a: {  	s4 =	simm.s32 $_size__tile_overlayer_lowered;
	s5 =	simm.s32 $_tile_overlayer_lowered  }
0x9b: {  	s22 =	simm.s32 $0x1BFF;
	s21 =	sshll.u32 s5, $0x1;
	s2 =	sadd.s32 s19, s18  }
0x9c: {  	s6 =	simm.s32 $0x0;
	s20 =	sshll.u32 s4, $0x1;
	s4 =	sadd.s32 s21, s2  }
0x9d: {  	[timem:s6], [sflag:s22] =	dma.local [hbm:s4], s20  }
0x9e: {  	_ =	swait.ge [sflag:s22], s20  }
0x9f: {  	s3 =	ssub.s32 $0x0, s20;
	[sflag:s22] =	ssyncset.done $0x0  }
0xa0: {  	[sflag:s22] =	ssyncadd.s32 s3;
	_ =	sdelay $0x1  }
0xa1: {  	s23 =	simm.s32 $0x1B8B  }
0xa2: {  	_ =	swait.ge [sflag:s23], $0x1  }
0xa3: {  	[sflag:s23] =	ssyncset.done $0x0  }
0xa4: {  	s25 =	simm.s32 $0x1B8E;
	s24 =	sld [smem:$0x3FFE];
	[sflag:s23] =	ssyncadd.s32 $0xFFFFFFFF  }
0xa5: {  	s26 =	simm.s32 $execute0_lowered;
	[smem:$0x3FD2] =	sst s25  }
0xa6: {  	s4 =	sshll.u32 s26, $0x1;
	_ =	strace $0x80000046;
	[dreg:$0x1] =	wrdreg $0xFFFFFFFF  }
0xa7: {  	s28 =	simm.s32 $_size_execute0_lowered;
	s2 =	sadd.s32 s2, s4;
	[dreg:$0x0] =	wrdreg $0x0  }
0xa8: {  	s4 =	sshll.u32 s28, $0x1;
	[dreg:$0x2] =	wrdreg s2  }
0xa9: {  	[dreg:$0x3] =	wrdreg s4  }
0xaa: {  	[dreg:$0x4] =	wrdreg $0xC0  }
0xab: {  	_ =	task [dreg:s6], $0x5FFFF  }
0xac: {  	[dreg:$0x1] =	wrdreg $0xFFFFFFFF  }
0xad: {  	[dreg:$0x0] =	wrdreg $0x60  }
0xae: {  	[dreg:$0x2] =	wrdreg s24  }
0xaf: {  	[dreg:$0x3] =	wrdreg $0x9  }
0xb0: {  	_ =	task.clear_ibuf [dreg:s6], $0x4FFFF;
	_ =	strace $0x90000046  }
0xb1: {  	s29 =	simm.s32 $0x9;
	_ =	strace $0x80000048  }
0xb2: {  	_ =	swait.ge [sflag:s29], $0x1  }
0xb3: {  	[sflag:s29] =	ssyncadd.s32 $0xFFFFFFFF  }
0xb4: {  	_ =	strace $0x90000048  }
0xb5: {  	_ =	sfence  }
0xb6: {  	s30 =	sld [smem:$0x0];
	_ =	sdelay $0x2  }
0xb7: {  	s31 =	sshll.u32 s1, $0xD;
	s1 =	sshrl.u32 s1, $0x2  }
0xb8: {  	s3 =	sand.u32 $0x4000, s31;
	s1 =	sadd.s32 s1, s30  }
0xb9: {  	s0 =	sor.u32 s3, s0;
	s1 =	sshll.u32 s1, $0x11  }
0xba: {  	s0 =	sor.u32 s1, s0  }
0xbb: {  	s0 =	sadd.s32 $0x8F2B, s0  }
0xbc: {  	[sflag:s0] =	ssyncadd.remote.s32 $0x1  }
0xbd: {  	_ =	sfence.sel $0xFFFF  }
0xbe: {  	[dreg:$0x0] =	wrdreg $0xFFFFFFFF;
	(pc) =	sbr.abs _section_cstart, $3  }
0xbf: {  	[dreg:$0x1] =	wrdreg $0xFFFFFFFF  }
0xc0: {  	_ =	task.clear_ibuf [dreg:s6], $0x2FFFF;
	_ =	strace $0x9FFFFFFF  }
0xc1: {  	(tm) =	ssettm $0x7FFFFFFF  }
tec
execute0_lowered:
.L_overlay_start_1:
0x0: {  	(tag) =	ssettag $0x1  }
0x1: {  	s0 =	srdreg.scid  }
0x2: {  	s1 =	stileid.u32;
	s2 =	rddreg [dreg:$0x0];
	s3 =	simm.s32 $0x0  }
0x3: {  	s0 =	sand.u32 $0x1, s0;
	[smem:$0x7FF] =	sst s3;
	s9 =	sadd.s32 $0x1488A00, s2  }
0x4: {  	s8 =	sadd.s32 $0x48A00, s2;
	s10 =	sadd.s32 $0xA00, s2;
	s2 =	sadd.s32 $0x1758A00, s2  }
0x5: {  	s1 =	sshll.u32 s1, $0x1;
	_ =	strace $0x80000047;
	[dreg:$0xe] =	wrdreg s2  }
0x6: {  	v0 =	vimm.s32 $0x400;
	vm0 =	vcmask $0x300;
	s1 =	sor.u32 s0, s1;
	[dreg:$0xb] =	wrdreg s8  }
0x7: {  	vm1 =	vcmask $0x704;
	v0 =	vsel vm0, $0x0, v0;
	s0 =	ssub.s32 $0x2, s0;
	[dreg:$0xc] =	wrdreg s9;
	s7 =	smul.u32 $0x240, s1  }
0x8: {  	vm2 =	vcmask $0xB08;
	v1 =	vimm.s32 $0x1F80;
	v0 =	vsel vm1, $0x80, v0;
	[dreg:$0xd] =	wrdreg s10;
	s6 =	sshrl.u32 s0, $0x1;
	s1 =	smul.u32 $0x2400, s1  }
0x9: {  	vm3 =	vcmask $0xF0C;
	v1 =	vsel vm0, $0x0, v1;
	v0 =	vsel vm2, $0x100, v0;
	s0 =	ssub.s32 s0, s6;
	[dreg:$0xa] =	wrdreg s7;
	s29 =	sadd.s32 $0x23F, s7  }
0xa: {  	vm12 =	vcmask $0x1310;
	v1 =	vsel vm1, $0x480, v1;
	v0 =	vsel vm3, $0x180, v0;
	s4 =	sshrl.u32 s7, $0x3;
	s1 =	sadd.s32 s10, s1;
	[dreg:$0xf] =	wrdreg s29  }
0xb: {  	vm13 =	vcmask $0x1714;
	v1 =	vsel vm2, $0x900, v1;
	v0 =	vsel vm12, $0x200, v0;
	s0 =	smax.u32 s0, $0x1;
	s5 =	smul.u32 $0x2400, s4;
	[dreg:$0x12] =	wrdreg s1  }
0xc: {  	vm14 =	vcmask $0x1B18;
	v1 =	vsel vm3, $0xD80, v1;
	s4 =	smul.u32 $0x480, s4;
	s1 =	sadd.s32 $0x10, s1;
	[dreg:$0x16] =	wrdreg s0;
	v0 =	vsel vm13, $0x280, v0  }
0xd: {  	[dreg:$0x15] =	wrdreg s1;
	v2 =	vsel vm14, $0x300, v0;
	v0 =	vsel vm12, $0x1200, v1;
	s30 =	sadd.s32 s8, s5  }
0xe: {  	vm15 =	vcmask $0x1F1C;
	s4 =	sadd.s32 s9, s4;
	v3 =	vsel vm13, $0x1680, v0;
	v0 =	vlaneseq.u32;
	[dreg:$0x10] =	wrdreg s30  }
0xf: {  	s18 =	simm.s32 $0x4800;
	v1 =	vsel vm15, $0x380, v2;
	s2 =	sadd.s32 $0x10, s30;
	[dreg:$0x11] =	wrdreg s4;
	v2 =	vsel vm14, $0x1B00, v3;
	v3 =	vor.u32 $0x10, v0  }
0x10: {  	s20 =	simm.s32 $0x5280;
	s31 =	sadd.s32 $0x10, s4;
	v4 =	vor.u32 $0x20, v0;
	v5 =	vor.u32 $0x30, v0;
	v6 =	vor.u32 $0x40, v0;
	[dreg:$0x13] =	wrdreg s2  }
0x11: {  	s21 =	simm.s32 $0x9A80;
	v7 =	vor.u32 $0x50, v0;
	v8 =	vor.u32 $0x60, v0;
	v9 =	vor.u32 $0x70, v0;
	[dreg:$0x14] =	wrdreg s31;
	s2 =	simm.s32 $0x0  }
.LBB2_1:
0x12: {  	[dreg:$0x17] =	wrdreg s2  }
0x13: {  	s0 =	rddreg [dreg:$0x10];
	s1 =	simm.s32 $0x80;
	s24 =	simm.s32 $0x400  }
0x14: {  	[tilespmem:s3], [sflag:$0x1] =	stream.strided.gather [hbm4b:s0+s1], $0x2400, s24, s1, $0x38;
	[tilespmem:$0xA500] =	vst v63  }
0x15: {  	s25 =	rddreg [dreg:$0x11]  }
0x16: {  	[tilespmem:s18], [sflag:$0x2] =	stream.strided.gather [hbm4b:s25+s1], $0x480, s24, s1, $0x38;
	[tilespmem:$0xA500] =	vst v63  }
0x17: {  	s26 =	rddreg [dreg:$0x12];
	s4 =	simm.s32 $0x5100  }
0x18: {  	[tilespmem:s4], [sflag:$0x3] =	stream.linear.gather [hbm4b:s26+s3], $0x80, $0x38;
	[tilespmem:$0xA500] =	vst v63  }
0x19: {  	s28 =	rddreg [dreg:$0x13]  }
0x1a: {  	[tilespmem:s20], [sflag:$0x4] =	stream.strided.gather [hbm4b:s28+s1], $0x2400, s24, s1, $0x38;
	[tilespmem:$0xA500] =	vst v63  }
0x1b: {  	s29 =	rddreg [dreg:$0x14]  }
0x1c: {  	[tilespmem:s21], [sflag:$0x5] =	stream.strided.gather [hbm4b:s29+s1], $0x480, s24, s1, $0x38;
	[tilespmem:$0xA500] =	vst v63  }
0x1d: {  	s30 =	rddreg [dreg:$0x15];
	s31 =	simm.s32 $0xA380;
	s19 =	simm.s32 $0x0  }
0x1e: {  	[tilespmem:s31], [sflag:$0x6] =	stream.linear.gather [hbm4b:s30+s3], $0x80, $0x38;
	[tilespmem:$0xA500] =	vst v63  }
.LBB2_2:
0x1f: {  	s0 =	simm.s32 $0x1  }
0x20: {  	_ =	swait.ge [sflag:s0], $0x2400  }
0x21: {  	[sflag:s0] =	ssyncset.done $0x0  }
0x22: {  	s13 =	simm.s32 $0x2;
	[sflag:s0] =	ssyncadd.s32 $0xFFFFDC00  }
0x23: {  	_ =	swait.ge [sflag:s13], $0x480  }
0x24: {  	[sflag:s13] =	ssyncset.done $0x0  }
0x25: {  	s1 =	simm.s32 $0x3;
	[sflag:s13] =	ssyncadd.s32 $0xFFFFFB80  }
0x26: {  	_ =	swait.ge [sflag:s1], $0x80  }
0x27: {  	s14 =	sshll.u32 s19, $0x1;
	s16 =	simm.s32 $0x4;
	[sflag:s1] =	ssyncset.done $0x0  }
0x28: {  	s5 =	simm.s32 $0x5;
	s15 =	rddreg [dreg:$0xa];
	[sflag:s1] =	ssyncadd.s32 $0xFFFFFF80  }
0x29: {  	s7 =	simm.s32 $0x6;
	s15 =	sadd.s32 s15, s14;
	_ =	swait.ge [sflag:s16], $0x2400  }
0x2a: {  	s0 =	sadd.s32 $0x2, s15;
	[sflag:s16] =	ssyncset.done $0x0;
	s12 =	rddreg [dreg:$0xf]  }
0x2b: {  	s13 =	simm.s32 $0x80;
	[sflag:s16] =	ssyncadd.s32 $0xFFFFDC00;
	s0 =	smin.u32 s0, s12  }
0x2c: {  	s14 =	simm.s32 $0x400;
	_ =	swait.ge [sflag:s5], $0x480;
	s17 =	sshrl.u32 s0, $0x3  }
0x2d: {  	s2 =	sshll.u32 s0, $0x7;
	s0 =	sand.u32 $0x1, s19;
	s4 =	smul.u32 $0x12000, s17  }
0x2e: {  	[sflag:s5] =	ssyncset.done $0x0;
	s22 =	sxor.u32 $0x1, s0;
	s23 =	smul.u32 $0x2400, s17  }
0x2f: {  	s2 =	sand.u32 $0x380, s2;
	s1 =	sshll.u32 s17, $0xA;
	s6 =	smul.u32 $0x2400, s22  }
0x30: {  	[sflag:s5] =	ssyncadd.s32 $0xFFFFFB80;
	s24 =	smul.u32 $0x480, s22;
	s1 =	sor.u32 s2, s1  }
0x31: {  	s25 =	sshll.u32 s22, $0x7;
	_ =	swait.ge [sflag:s7], $0x80;
	s4 =	sor.u32 s2, s4  }
0x32: {  	[sflag:s7] =	ssyncset.done $0x0;
	s4 =	sshrl.u32 s4, $0x3;
	s9 =	rddreg [dreg:$0xb]  }
0x33: {  	[sflag:s7] =	ssyncadd.s32 $0xFFFFFF80;
	s4 =	sadd.s32 s9, s4;
	s7 =	sor.u32 s2, s23  }
0x34: {  	[tilespmem:s6], [sflag:$0x1] =	stream.strided.gather [hbm4b:s4+s13], $0x2400, s14, s13, $0x38;
	[tilespmem:$0xA500] =	vst v63  }
0x35: {  	s1 =	sshrl.u32 s1, $0x3;
	s10 =	rddreg [dreg:$0xc];
	s7 =	sshrl.u32 s7, $0x3  }
0x36: {  	s8 =	sor.u32 $0x4800, s24;
	s11 =	rddreg [dreg:$0xd];
	s7 =	sadd.s32 s10, s7  }
0x37: {  	[tilespmem:s8], [sflag:$0x2] =	stream.strided.gather [hbm4b:s7+s13], $0x480, s14, s13, $0x38;
	[tilespmem:$0xA500] =	vst v63  }
0x38: {  	s26 =	sadd.s32 $0x3, s15;
	s5 =	sor.u32 $0x5100, s25;
	s1 =	sadd.s32 s11, s1  }
0x39: {  	[tilespmem:s5], [sflag:$0x3] =	stream.linear.gather [hbm4b:s1+s3], $0x80, $0x38;
	[tilespmem:$0xA500] =	vst v63  }
0x3a: {  	s1 =	smin.u32 s26, s12  }
0x3b: {  	s31 =	sshrl.u32 s1, $0x3  }
0x3c: {  	s1 =	sshll.u32 s1, $0x7;
	s8 =	smul.u32 $0x12000, s31  }
0x3d: {  	s1 =	sand.u32 $0x380, s1  }
0x3e: {  	s7 =	sor.u32 s1, s8  }
0x3f: {  	s7 =	sshrl.u32 s7, $0x3  }
0x40: {  	s6 =	sadd.s32 $0x5280, s6;
	s7 =	sadd.s32 s9, s7;
	s9 =	smul.u32 $0x2400, s31  }
0x41: {  	[tilespmem:s6], [sflag:$0x4] =	stream.strided.gather [hbm4b:s7+s13], $0x2400, s14, s13, $0x38;
	[tilespmem:$0xA500] =	vst v63  }
0x42: {  	s12 =	sor.u32 s1, s9  }
0x43: {  	[dreg:$0x18] =	wrdreg s15;
	s6 =	sshrl.u32 s12, $0x3;
	s12 =	sshll.u32 s0, $0x7  }
0x44: {  	s4 =	sadd.s32 $0x9A80, s24;
	s6 =	sadd.s32 s10, s6;
	s16 =	sor.u32 $0x5100, s12  }
0x45: {  	[tilespmem:s4], [sflag:$0x5] =	stream.strided.gather [hbm4b:s6+s13], $0x480, s14, s13, $0x38;
	[tilespmem:$0xA500] =	vst v63  }
0x46: {  	s17 =	sor.u32 $0x5110, s12;
	[dreg:$0x2] =	wrdreg s16  }
0x47: {  	s2 =	sadd.s32 $0xA380, s25;
	s22 =	sor.u32 $0x5120, s12;
	[dreg:$0x3] =	wrdreg s17  }
0x48: {  	s15 =	sshll.u32 s31, $0xA;
	s23 =	sor.u32 $0x5130, s12;
	[dreg:$0x4] =	wrdreg s22  }
0x49: {  	s1 =	sor.u32 s1, s15;
	s24 =	sor.u32 $0x5140, s12;
	[dreg:$0x5] =	wrdreg s23  }
0x4a: {  	s1 =	sshrl.u32 s1, $0x3;
	s25 =	sor.u32 $0x5150, s12;
	[dreg:$0x6] =	wrdreg s24  }
0x4b: {  	s1 =	sadd.s32 s11, s1;
	s26 =	sor.u32 $0x5160, s12;
	[dreg:$0x7] =	wrdreg s25  }
0x4c: {  	s31 =	sor.u32 $0x5170, s12;
	s13 =	smul.u32 $0x2400, s0;
	[dreg:$0x8] =	wrdreg s26  }
0x4d: {  	s14 =	smul.u32 $0x480, s0;
	[dreg:$0x9] =	wrdreg s31;
	s4 =	simm.s32 $0xFFFFFFFF  }
0x4e: {  	[tilespmem:s2], [sflag:$0x6] =	stream.linear.gather [hbm4b:s1+s3], $0x80, $0x38;
	[tilespmem:$0xA500] =	vst v63  }
0x4f: {  	s15 =	sadd.s32 $0x480, s13;
	s9 =	sadd.s32 $0x900, s13;
	s10 =	sadd.s32 $0xD80, s13  }
0x50: {  	s11 =	sadd.s32 $0x1200, s13;
	s0 =	sadd.s32 $0x1680, s13;
	s30 =	sadd.s32 $0x1B00, s13  }
0x51: {  	s1 =	sadd.s32 $0x1F80, s13;
	s2 =	sadd.s32 $0x80, s14;
	s7 =	sadd.s32 $0x100, s14  }
0x52: {  	v10 =	vimm.s32 $0x0;
	s23 =	sadd.s32 $0x180, s14;
	s24 =	sadd.s32 $0x200, s14;
	s25 =	sadd.s32 $0x280, s14  }
0x53: {  	v12 =	vimm.s32 $0x0;
	v11 =	vadd.s32 s14, v1;
	s26 =	sadd.s32 $0x300, s14;
	v13 =	vadd.s32 s13, v2;
	s28 =	sadd.s32 $0x380, s14;
	s29 =	sadd.s32 $0x400, s14  }
.LBB2_3:
0x54: {  	s5 =	rddreg [dreg:$0x2]  }
0x55: {  	s6 =	rddreg [dreg:$0x3];
	v14 =	vld [tilespmem:s5+$0x0]  }
0x56: {  	v15 =	vld [tilespmem:s6+$0x0]  }
0x57: {  	s8 =	rddreg [dreg:$0x4]  }
0x58: {  	v16 =	vld [tilespmem:s8+$0x0]  }
0x59: {  	s16 =	rddreg [dreg:$0x5]  }
0x5a: {  	v17 =	vld [tilespmem:s16+$0x0]  }
0x5b: {  	s17 =	rddreg [dreg:$0x6];
	vm0 =	vgt.f32 v15, v14  }
0x5c: {  	v14 =	vsel vm0, v15, v14;
	v15 =	vld [tilespmem:s17+$0x0]  }
0x5d: {  	s22 =	rddreg [dreg:$0x7];
	vm1 =	vgt.f32 v16, v14  }
0x5e: {  	v35 =	vld [tilespmem:s22+$0x0];
	v14 =	vsel vm1, v16, v14  }
0x5f: {  	s31 =	rddreg [dreg:$0x8];
	vm2 =	vgt.f32 v17, v14  }
0x60: {  	v36 =	vld [tilespmem:s31+$0x0];
	v14 =	vsel vm2, v17, v14  }
0x61: {  	s8 =	rddreg [dreg:$0x9];
	vm3 =	vgt.f32 v15, v14  }
0x62: {  	v18 =	vsel vm0, v3, v0;
	v14 =	vsel vm3, v15, v14;
	v15 =	vld [tilespmem:s8+$0x0]  }
0x63: {  	v18 =	vsel vm1, v4, v18;
	vm15 =	vgt.f32 v35, v14  }
0x64: {  	v37 =	vsel vm2, v5, v18;
	v14 =	vsel vm15, v35, v14  }
0x65: {  	v16 =	vsel vm3, v6, v37;
	vm4 =	vgt.f32 v36, v14  }
0x66: {  	v16 =	vsel vm15, v7, v16;
	v14 =	vsel vm4, v36, v14  }
0x67: {  	v16 =	vsel vm4, v8, v16;
	vm5 =	vgt.f32 v15, v14  }
0x68: {  	v14 =	vsel vm5, v15, v14;
	v15 =	vsel vm5, v9, v16  }
0x69: {  	(xrf1) =	vsort.dscd.msk.f32 $0xffff, v14, v15;
	_ =	sdelay $0xd  }
0x6a: {  	_, v14, _ =	vpop (xrf1)  }
0x6b: {  	v15 =	vbroadcast v14, $0x0;
	_ =	sdelay $0x1  }
0x6c: {  	v15 =	vadd.s32 v11, v15;
	_ =	sdelay $0x4  }
0x6d: {  	v15 =	vld.idx.msk [tilespmem:v15+s18+$0x0], $0xffff;
	_ =	sdelay $0x4  }
0x6e: {  	(xrf1) =	vsort.dscd.msk.f32 $0xffff, v15, v0;
	_ =	sdelay $0xd  }
0x6f: {  	(v2sf) =	vpush v14, $0x0;
	_, v14, _ =	vpop (xrf1)  }
0x70: {  	(v2sf) =	vpush v14, $0x0;
	_ =	sdelay $0xd  }
0x71: {  	s6 =	spop (v2sf)  }
0x72: {  	s16 =	spop (v2sf)  }
0x73: {  	s5 =	sshll.u32 s16, $0x7  }
0x74: {  	s16 =	sadd.s32 s5, s6  }
0x75: {  	v14 =	vadd.s32 s16, v13;
	_ =	sdelay $0x4  }
0x76: {  	v14 =	vld.idx.msk [tilespmem:v14+s3+$0x0], $0xffff;
	_ =	sdelay $0x4  }
0x77: {  	(xrf1) =	vsort.dscd.msk.f32 $0xffff, v14, v0;
	_ =	sdelay $0xd  }
0x78: {  	_, v14, _ =	vpop (xrf1)  }
0x79: {  	(v2sf) =	vpush v14, $0x0;
	_ =	sdelay $0xe  }
0x7a: {  	s17 =	spop (v2sf)  }
0x7b: {  	s5 =	smul.u32 $0x480, s17  }
0x7c: {  	s8 =	sand.u32 $0xF, s6  }
0x7d: {  	s17 =	ssub.s32 s13, s8;
	s5 =	sadd.s32 s5, s16  }
0x7e: {  	s17 =	sadd.s32 s5, s17  }
0x7f: {  	v14 =	vld [tilespmem:s17+$0x0];
	_ =	sdelay $0x2  }
0x80: {  	v15 =	vmov s8  }
0x81: {  	vm6 =	veq.s32 v15, v0  }
0x82: {  	s31 =	sadd.s32 s13, s16;
	v14 =	vsel vm6, $0xFF800000, v14  }
0x83: {  	s22 =	sadd.s32 s15, s16;
	[tilespmem:s17+$0x0] =	vst v14;
	s17 =	ssub.s32 s31, s8  }
0x84: {  	v14 =	vld [tilespmem:s17+$0x0];
	s17 =	ssub.s32 s22, s8;
	s22 =	sadd.s32 s9, s16  }
0x85: {  	v15 =	vld [tilespmem:s17+$0x0];
	s17 =	ssub.s32 s22, s8;
	s22 =	sadd.s32 s10, s16  }
0x86: {  	v38 =	vld [tilespmem:s17+$0x0];
	s17 =	ssub.s32 s22, s8;
	s22 =	sadd.s32 s11, s16  }
0x87: {  	v39 =	vld [tilespmem:s17+$0x0];
	s17 =	ssub.s32 s22, s8;
	s22 =	sadd.s32 s0, s16  }
0x88: {  	v40 =	vld [tilespmem:s17+$0x0];
	s17 =	ssub.s32 s22, s8;
	s22 =	sadd.s32 s30, s16  }
0x89: {  	v19 =	vld [tilespmem:s17+$0x0];
	s17 =	ssub.s32 s22, s8;
	s22 =	sadd.s32 s1, s16  }
0x8a: {  	v14 =	vmax.f32 v14, v15;
	v15 =	vld [tilespmem:s17+$0x0];
	s22 =	ssub.s32 s22, s8  }
0x8b: {  	v14 =	vmax.f32 v14, v38;
	v41 =	vld [tilespmem:s22+$0x0]  }
0x8c: {  	v14 =	vmax.f32 v14, v39  }
0x8d: {  	v14 =	vmax.f32 v14, v40  }
0x8e: {  	v14 =	vmax.f32 v14, v19  }
0x8f: {  	s16 =	sadd.s32 s14, s16;
	v14 =	vmax.f32 v14, v15  }
0x90: {  	s31 =	sadd.s32 s14, s6;
	s16 =	ssub.s32 s16, s8;
	v14 =	vmax.f32 v14, v41  }
0x91: {  	s22 =	ssub.s32 s31, s8;
	s31 =	sadd.s32 s2, s6;
	[tilespmem:s16+$0x4800] =	vst v14  }
0x92: {  	v14 =	vld [tilespmem:s22+$0x4800];
	s22 =	ssub.s32 s31, s8;
	s31 =	sadd.s32 s7, s6  }
0x93: {  	v15 =	vld [tilespmem:s22+$0x4800];
	s22 =	ssub.s32 s31, s8;
	s31 =	sadd.s32 s23, s6  }
0x94: {  	v42 =	vld [tilespmem:s22+$0x4800];
	s22 =	ssub.s32 s31, s8;
	s31 =	sadd.s32 s24, s6  }
0x95: {  	v43 =	vld [tilespmem:s22+$0x4800];
	s22 =	ssub.s32 s31, s8;
	s31 =	sadd.s32 s25, s6  }
0x96: {  	v44 =	vld [tilespmem:s22+$0x4800];
	s22 =	ssub.s32 s31, s8;
	s31 =	sadd.s32 s26, s6  }
0x97: {  	v45 =	vld [tilespmem:s22+$0x4800];
	s22 =	ssub.s32 s31, s8;
	s31 =	sadd.s32 s28, s6  }
0x98: {  	v14 =	vmax.f32 v14, v15;
	v15 =	vld [tilespmem:s22+$0x4800];
	s22 =	ssub.s32 s31, s8;
	s31 =	sadd.s32 s29, s6  }
0x99: {  	v14 =	vmax.f32 v14, v42;
	v46 =	vld [tilespmem:s22+$0x4800];
	s22 =	ssub.s32 s31, s8  }
0x9a: {  	v14 =	vmax.f32 v14, v43;
	v47 =	vld [tilespmem:s22+$0x4800]  }
0x9b: {  	v14 =	vmax.f32 v14, v44  }
0x9c: {  	v14 =	vmax.f32 v14, v45  }
0x9d: {  	v14 =	vmax.f32 v14, v15  }
0x9e: {  	s6 =	sadd.s32 s12, s6;
	v14 =	vmax.f32 v14, v46  }
0x9f: {  	s6 =	ssub.s32 s6, s8;
	v14 =	vmax.f32 v14, v47  }
0xa0: {  	[tilespmem:s6+$0x5100] =	vst v14  }
0xa1: {  	v14 =	vld [tilespmem:s12+$0xA380]  }
0xa2: {  	v15 =	vld [tilespmem:s12+$0xA390];
	_ =	sdelay $0x1  }
0xa3: {  	v48 =	vld [tilespmem:s12+$0xA3A0];
	_ =	sdelay $0x1  }
0xa4: {  	v49 =	vld [tilespmem:s12+$0xA3B0]  }
0xa5: {  	vm7 =	vgt.f32 v15, v14  }
0xa6: {  	v14 =	vsel vm7, v15, v14;
	v15 =	vld [tilespmem:s12+$0xA3C0]  }
0xa7: {  	vm8 =	vgt.f32 v48, v14  }
0xa8: {  	v50 =	vld [tilespmem:s12+$0xA3D0];
	v14 =	vsel vm8, v48, v14  }
0xa9: {  	vm9 =	vgt.f32 v49, v14  }
0xaa: {  	v51 =	vld [tilespmem:s12+$0xA3E0];
	v14 =	vsel vm9, v49, v14  }
0xab: {  	vm10 =	vgt.f32 v15, v14  }
0xac: {  	v52 =	vsel vm7, v3, v0;
	v14 =	vsel vm10, v15, v14;
	v15 =	vld [tilespmem:s12+$0xA3F0]  }
0xad: {  	v18 =	vsel vm8, v4, v52;
	vm11 =	vgt.f32 v50, v14  }
0xae: {  	v53 =	vsel vm9, v5, v18;
	v14 =	vsel vm11, v50, v14  }
0xaf: {  	v16 =	vsel vm10, v6, v53;
	vm12 =	vgt.f32 v51, v14  }
0xb0: {  	v16 =	vsel vm11, v7, v16;
	v14 =	vsel vm12, v51, v14  }
0xb1: {  	v16 =	vsel vm12, v8, v16;
	vm13 =	vgt.f32 v15, v14  }
0xb2: {  	v14 =	vsel vm13, v15, v14;
	v15 =	vsel vm13, v9, v16  }
0xb3: {  	(xrf1) =	vsort.dscd.msk.f32 $0xffff, v14, v15;
	_ =	sdelay $0xd  }
0xb4: {  	_, v14, _ =	vpop (xrf1)  }
0xb5: {  	v15 =	vbroadcast v14, $0x0;
	_ =	sdelay $0x1  }
0xb6: {  	v15 =	vadd.s32 v11, v15;
	_ =	sdelay $0x4  }
0xb7: {  	v15 =	vld.idx.msk [tilespmem:v15+s21+$0x0], $0xffff;
	_ =	sdelay $0x4  }
0xb8: {  	(xrf1) =	vsort.dscd.msk.f32 $0xffff, v15, v0;
	_ =	sdelay $0xd  }
0xb9: {  	(v2sf) =	vpush v14, $0x0;
	_, v14, _ =	vpop (xrf1)  }
0xba: {  	(v2sf) =	vpush v14, $0x0;
	_ =	sdelay $0xd  }
0xbb: {  	s6 =	spop (v2sf)  }
0xbc: {  	s31 =	spop (v2sf)  }
0xbd: {  	s8 =	sshll.u32 s31, $0x7  }
0xbe: {  	s17 =	sadd.s32 s8, s6  }
0xbf: {  	v14 =	vadd.s32 s17, v13;
	_ =	sdelay $0x4  }
0xc0: {  	v14 =	vld.idx.msk [tilespmem:v14+s20+$0x0], $0xffff;
	_ =	sdelay $0x4  }
0xc1: {  	(xrf1) =	vsort.dscd.msk.f32 $0xffff, v14, v0;
	_ =	sdelay $0xd  }
0xc2: {  	_, v14, _ =	vpop (xrf1)  }
0xc3: {  	(v2sf) =	vpush v14, $0x0;
	_ =	sdelay $0xe  }
0xc4: {  	s16 =	spop (v2sf)  }
0xc5: {  	s8 =	smul.u32 $0x480, s16  }
0xc6: {  	s16 =	sand.u32 $0xF, s6  }
0xc7: {  	s22 =	ssub.s32 s13, s16;
	s8 =	sadd.s32 s8, s17  }
0xc8: {  	s31 =	sadd.s32 s8, s22  }
0xc9: {  	v14 =	vld [tilespmem:s31+$0x5280];
	_ =	sdelay $0x2  }
0xca: {  	v15 =	vmov s16  }
0xcb: {  	vm14 =	veq.s32 v15, v0  }
0xcc: {  	s22 =	sadd.s32 s13, s17;
	v14 =	vsel vm14, $0xFF800000, v14  }
0xcd: {  	s22 =	ssub.s32 s22, s16;
	[tilespmem:s31+$0x5280] =	vst v14;
	s31 =	sadd.s32 s15, s17  }
0xce: {  	v14 =	vld [tilespmem:s22+$0x5280];
	s22 =	ssub.s32 s31, s16;
	s31 =	sadd.s32 s9, s17  }
0xcf: {  	v15 =	vld [tilespmem:s22+$0x5280];
	s22 =	ssub.s32 s31, s16;
	s31 =	sadd.s32 s10, s17  }
0xd0: {  	v54 =	vld [tilespmem:s22+$0x5280];
	s22 =	ssub.s32 s31, s16;
	s31 =	sadd.s32 s11, s17  }
0xd1: {  	v55 =	vld [tilespmem:s22+$0x5280];
	s22 =	ssub.s32 s31, s16;
	s31 =	sadd.s32 s0, s17  }
0xd2: {  	v56 =	vld [tilespmem:s22+$0x5280];
	s22 =	ssub.s32 s31, s16;
	s31 =	sadd.s32 s30, s17  }
0xd3: {  	v57 =	vld [tilespmem:s22+$0x5280];
	s22 =	ssub.s32 s31, s16;
	s31 =	sadd.s32 s1, s17  }
0xd4: {  	v20 =	vld [tilespmem:s22+$0x5280];
	v14 =	vmax.f32 v14, v15;
	s31 =	ssub.s32 s31, s16  }
0xd5: {  	v14 =	vmax.f32 v14, v54;
	v15 =	vld [tilespmem:s31+$0x5280]  }
0xd6: {  	v14 =	vmax.f32 v14, v55  }
0xd7: {  	v14 =	vmax.f32 v14, v56  }
0xd8: {  	v14 =	vmax.f32 v14, v57  }
0xd9: {  	s17 =	sadd.s32 s14, s17;
	v14 =	vmax.f32 v14, v20  }
0xda: {  	s17 =	ssub.s32 s17, s16;
	s31 =	sadd.s32 s14, s6;
	v14 =	vmax.f32 v14, v15  }
0xdb: {  	s22 =	ssub.s32 s31, s16;
	s31 =	sadd.s32 s2, s6;
	[tilespmem:s17+$0x9A80] =	vst v14  }
0xdc: {  	v14 =	vld [tilespmem:s22+$0x9A80];
	s22 =	ssub.s32 s31, s16;
	s31 =	sadd.s32 s7, s6  }
0xdd: {  	v15 =	vld [tilespmem:s22+$0x9A80];
	s22 =	ssub.s32 s31, s16;
	s31 =	sadd.s32 s23, s6  }
0xde: {  	v58 =	vld [tilespmem:s22+$0x9A80];
	s22 =	ssub.s32 s31, s16;
	s31 =	sadd.s32 s24, s6  }
0xdf: {  	v59 =	vld [tilespmem:s22+$0x9A80];
	s22 =	ssub.s32 s31, s16;
	s31 =	sadd.s32 s25, s6  }
0xe0: {  	v60 =	vld [tilespmem:s22+$0x9A80];
	s22 =	ssub.s32 s31, s16;
	s31 =	sadd.s32 s26, s6  }
0xe1: {  	v61 =	vld [tilespmem:s22+$0x9A80];
	s22 =	ssub.s32 s31, s16;
	s31 =	sadd.s32 s28, s6  }
0xe2: {  	v14 =	vmax.f32 v14, v15;
	v15 =	vld [tilespmem:s22+$0x9A80];
	s22 =	ssub.s32 s31, s16;
	s31 =	sadd.s32 s29, s6  }
0xe3: {  	v62 =	vld [tilespmem:s22+$0x9A80];
	v14 =	vmax.f32 v14, v58;
	s31 =	ssub.s32 s31, s16  }
0xe4: {  	v63 =	vld [tilespmem:s31+$0x9A80];
	v14 =	vmax.f32 v14, v59  }
0xe5: {  	p0 =	sne.s32 s4, $0xF;
	v14 =	vmax.f32 v14, v60  }
.Ltmp0:
0xe6: {  	v14 =	vmax.f32 v14, v61;
	(pc) =	sbr.rel @p0 .LBB2_3-.Ltmp0, $4  }
0xe7: {  	v14 =	vmax.f32 v14, v15  }
0xe8: {  	s6 =	sadd.s32 s12, s6;
	v15 =	vmov s4;
	v14 =	vmax.f32 v14, v62  }
0xe9: {  	s6 =	ssub.s32 s6, s16;
	vm15 =	veq.s32 v15, v0;
	v14 =	vmax.f32 v14, v63  }
0xea: {  	s4 =	sadd.s32 $0x1, s4;
	v12 =	vsel vm15, s5, v12;
	v10 =	vsel vm15, s8, v10;
	[tilespmem:s6+$0xA380] =	vst v14  }
0xeb: {  	s4 =	rddreg [dreg:$0x18];
	s0 =	simm.s32 $0x0  }
0xec: {  	s1 =	simm.s32 $0x2400;
	s2 =	sshll.u32 s19, $0x5;
	p0 =	slt.u32 s4, $0x2400  }
0xed: {  	s28 =	rddreg [dreg:$0xe];
	s0 =	simm.s32 @!p0 $0x2400;
	p0 =	sgt.u32 s4, $0x23FE  }
0xee: {  	s26 =	sshll.u32 s4, $0x4;
	s2 =	sand.u32 $0x60, s2;
	v11 =	vadd.s32 s0, v12;
	s1 =	simm.s32 @!p0 $0x0  }
0xef: {  	s0 =	sand.u32 $0xFFFFF80, s26;
	[tilespmem:$0x5200] =	vst v11;
	v10 =	vadd.s32 s1, v10;
	s1 =	sadd.s32 s28, s2  }
0xf0: {  	s29 =	simm.s32 $0x5200;
	s30 =	simm.s32 $0x7;
	[tilespmem:$0xA480] =	vst v10;
	s0 =	sadd.s32 s0, s1  }
0xf1: {  	[hbm4b:s0+s3] =	stream.linear.scatter [tilespmem:s29], [sflag:$0x7], $0x80, $0x38;
	[tilespmem:$0xA500] =	vst v63  }
0xf2: {  	s19 =	sadd.s32 $0x1, s19;
	_ =	swait.ge [sflag:s30], $0x80  }
0xf3: {  	s31 =	simm.s32 $0xA480;
	p0 =	sne.s32 s19, $0x120;
	[sflag:s30] =	ssyncset.done $0x0  }
.Ltmp1:
0xf4: {  	s0 =	sadd.s32 $0x10, s0;
	[sflag:s30] =	ssyncadd.s32 $0xFFFFFF80;
	(pc) =	sbr.rel @p0 .LBB2_2-.Ltmp1, $4  }
0xf5: {  	[hbm4b:s0+s3] =	stream.linear.scatter [tilespmem:s31], [sflag:$0x7], $0x80, $0x38;
	[tilespmem:$0xA500] =	vst v63  }
0xf6: {  	_ =	swait.ge [sflag:s30], $0x80  }
0xf7: {  	[sflag:s30] =	ssyncset.done $0x0  }
0xf8: {  	[sflag:s30] =	ssyncadd.s32 $0xFFFFFF80  }
0xf9: {  	s0 =	simm.s32 $0x1  }
0xfa: {  	_ =	swait.ge [sflag:s0], $0x2400  }
0xfb: {  	[sflag:s0] =	ssyncset.done $0x0  }
0xfc: {  	s26 =	simm.s32 $0x2;
	[sflag:s0] =	ssyncadd.s32 $0xFFFFDC00  }
0xfd: {  	_ =	swait.ge [sflag:s26], $0x480  }
0xfe: {  	[sflag:s26] =	ssyncset.done $0x0  }
0xff: {  	s28 =	simm.s32 $0x3;
	[sflag:s26] =	ssyncadd.s32 $0xFFFFFB80  }
0x100: {  	_ =	swait.ge [sflag:s28], $0x80  }
0x101: {  	[sflag:s28] =	ssyncset.done $0x0  }
0x102: {  	s29 =	simm.s32 $0x4;
	[sflag:s28] =	ssyncadd.s32 $0xFFFFFF80  }
0x103: {  	_ =	swait.ge [sflag:s29], $0x2400  }
0x104: {  	[sflag:s29] =	ssyncset.done $0x0  }
0x105: {  	s30 =	simm.s32 $0x5;
	[sflag:s29] =	ssyncadd.s32 $0xFFFFDC00  }
0x106: {  	_ =	swait.ge [sflag:s30], $0x480  }
0x107: {  	[sflag:s30] =	ssyncset.done $0x0  }
0x108: {  	s1 =	simm.s32 $0x6;
	[sflag:s30] =	ssyncadd.s32 $0xFFFFFB80  }
0x109: {  	_ =	swait.ge [sflag:s1], $0x80  }
0x10a: {  	s2 =	rddreg [dreg:$0x17]  }
0x10b: {  	s31 =	rddreg [dreg:$0x16];
	s2 =	sadd.s32 $0x1, s2  }
0x10c: {  	p0 =	sne.s32 s2, s31  }
.Ltmp2:
0x10d: {  	_ = 	snop;
	(pc) =	sbr.rel @p0 .LBB2_1-.Ltmp2, $3  }
0x10e: {  	_ =	sdelay $0x1  }
0x10f: {  	[sflag:s1] =	ssyncset.done $0x0  }
0x110: {  	[sflag:s1] =	ssyncadd.s32 $0xFFFFFF80  }
0x111: {  	_ =	sfence.sel $0x180000  }
0x112: {  	[bflag:$0x0] =	sbarrier.arrive $0xFFFF  }
0x113: {  	_ =	strace $0x90000047  }
0x114: {  	s0 =	stileid.u32;
	[bflag:$0x2] =	sbarrier.arrive $0xFFFF  }
0x115: {  	p0 =	sne.s32 s0, $0x0;
	s0 =	rddreg [dreg:$0x1]  }
0x116: {  	s0 =	sadd.s32 @!p0 $0x100000, s0  }
0x117: {  	[sflag:s0] =	ssyncadd.tile.s32 @!p0 $0x1;
	_ =	shalt  }
.Lfunc_end2:
_tile_overlayer_lowered:
.L_overlay_start_2:
0x118: {  	(tag) =	ssettag $0x2  }
0x119: {  	s0 =	rddreg [dreg:$0x0];
	s2 =	stileid.u32  }
0x11a: {  	s1 =	rddreg [dreg:$0x1];
	p0 =	sne.s32 s2, $0x0  }
0x11b: {  	s3 =	rddreg [dreg:$0x2];
	[bflag:$0x3] =	sbarrier.arrive $0xFFFF;
	s2 =	simm.s32 @!p0 $0x1C07  }
0x11c: {  	[timem:s3], [sflag:s2] =	dma.local @!p0 [hbm:s0], s1  }
0x11d: {  	s0 =	simm.s32 @!p0 $0x7  }
0x11e: {  	_ =	swait.ge @!p0 [sflag:s0], s1  }
0x11f: {  	s1 =	ssub.s32 @!p0 $0x0, s1;
	[sflag:s0] =	ssyncset.done @!p0 $0x0  }
0x120: {  	[sflag:s0] =	ssyncadd.s32 @!p0 s1  }
0x121: {  	[bflag:$0x3] =	sbarrier.arrive $0xFFFF  }
0x122: {  	_ =	shalt  }

</sc_bundles>
